<compile_context>
chip_gen: v7x
topology: tpu7x:2x2x1
jax: 0.10.2.dev20260603
libtpu: 0.0.44.dev20260713+nightly
codegen_flags: <defaults>
</compile_context>

<pallas_src>
import functools

import jax
import jax.numpy as jnp
from jax import lax
from jax.experimental import pallas as pl
from jax.experimental.pallas import tpu as pltpu
from jax.experimental.pallas import tpu_sc as plsc

B, N, NPOINT, KNN = 4, 4096, 1024, 16
IN_CH, OUT_CH = 64, 128
CIN = IN_CH + 3
EC = int(CIN * 2.0)
DP = 128
ECP = 256
OCP = 128

NR, NC = 8, 512
S_TILE = 256
SM = 128

_NEG_BIG = 1e10
_INF = float("inf")



def _fps_body(x_ref, start_ref, nxyz_ref):
    X = x_ref[...]
    i1 = lax.broadcasted_iota(jnp.int32, (B, NR, NC), 1)
    i2 = lax.broadcasted_iota(jnp.int32, (B, NR, NC), 2)
    flat_b = i1 * NC + i2
    j1 = lax.broadcasted_iota(jnp.int32, (3 * B, NR, NC), 1)
    j2 = lax.broadcasted_iota(jnp.int32, (3 * B, NR, NC), 2)
    flat3 = j1 * NC + j2
    far0 = start_ref[...]
    dist0 = jnp.full((B, NR, NC), _NEG_BIG, dtype=jnp.float32)
    lane = lax.broadcasted_iota(jnp.int32, (1, 1, 128), 2)

    def step(i, carry):
        dist, far3 = carry
        oh = flat3 == far3
        c3 = jnp.sum(jnp.where(oh, X, 0.0), axis=(1, 2), keepdims=True)
        v = jnp.zeros((1, 1, 128), jnp.float32)
        for b_ in range(B):
            for d_ in range(3):
                cv = jnp.broadcast_to(c3[d_ * B + b_:d_ * B + b_ + 1], (1, 1, 128))
                v = jnp.where(lane == (b_ * 3 + d_), cv, v)
        nxyz_ref[pl.ds(i, 1), :, :] = v
        d3 = (X - c3) * (X - c3)
        d4 = d3.reshape(3, B, NR, NC)
        d = (d4[0] + d4[1]) + d4[2]
        dist = jnp.minimum(dist, d)
        mx = jnp.max(dist, axis=(1, 2), keepdims=True)
        am = jnp.min(jnp.where(dist == mx, flat_b, N), axis=(1, 2), keepdims=True)
        far_n = jnp.concatenate([am, am, am], axis=0)
        return dist, far_n

    lax.fori_loop(0, NPOINT, step, (dist0, far0))


def _run_fps(x12, start12):
    return pl.pallas_call(
        _fps_body,
        out_shape=jax.ShapeDtypeStruct((NPOINT, 1, 128), jnp.float32),
    )(x12, start12)



def _knn_body(xyz_ref, nxyz_ref, idx_ref):
    b = pl.program_id(0)
    xb = xyz_ref[0]
    cb = nxyz_ref[0]
    dx = xb[:, 0:1] - cb[0:1, :]
    dy = xb[:, 1:2] - cb[1:2, :]
    dz = xb[:, 2:3] - cb[2:3, :]
    dist = dx * dx + dy * dy + dz * dz
    ng, gr = 64, N // 64
    key = lax.bitcast_convert_type(dist, jnp.int32)
    key3 = key.reshape(ng, gr, S_TILE)
    r6 = lax.broadcasted_iota(jnp.int32, (ng, gr, S_TILE), 1)
    key3 = (key3 & (~0x3F)) | r6
    gmin = jnp.min(key3, axis=1)
    giota = lax.broadcasted_iota(jnp.int32, (ng, S_TILE), 0)
    rows = []
    for _ in range(KNN):
        mn = jnp.min(gmin, axis=0, keepdims=True)
        g = jnp.min(jnp.where(gmin == mn, giota, ng), axis=0, keepdims=True)
        rows.append(g * gr + (mn & 0x3F))
        key3 = jnp.where(key3 == mn[None], jnp.int32(0x7FFFFFFF), key3)
        gmin = jnp.min(key3, axis=1)
    idx = jnp.concatenate(rows, axis=0) + b * N
    idx_ref[0] = idx


def _run_knn(xyz, nxyz_t):
    return pl.pallas_call(
        _knn_body,
        grid=(B, NPOINT // S_TILE),
        in_specs=[
            pl.BlockSpec((1, N, 3), lambda b, j: (b, 0, 0)),
            pl.BlockSpec((1, 3, S_TILE), lambda b, j: (b, 0, j)),
        ],
        out_specs=pl.BlockSpec((1, KNN, S_TILE), lambda b, j: (b, 0, j)),
        out_shape=jax.ShapeDtypeStruct((B, KNN, NPOINT), jnp.int32),
    )(xyz, nxyz_t)



_TOT = B * NPOINT * KNN
_CH = 128


def _make_sc_gather():
    info = plsc.get_sparse_core_info()
    nc_, ns_ = info.num_cores, info.num_subcores
    nw = nc_ * ns_
    per_w = _TOT // nw
    n_ch = per_w // _CH
    mesh = plsc.VectorSubcoreMesh(core_axis_name="c", subcore_axis_name="s")

    @functools.partial(
        pl.kernel,
        mesh=mesh,
        out_type=jax.ShapeDtypeStruct((_TOT, DP), jnp.float32),
        scratch_types=[
            pltpu.VMEM((_CH,), jnp.int32),
            pltpu.VMEM((_CH, DP), jnp.float32),
            pltpu.SemaphoreType.DMA,
        ],
    )
    def gather_k(tbl_hbm, idx_hbm, out_hbm, idx_v, rows_v, sem):
        wid = lax.axis_index("s") * nc_ + lax.axis_index("c")
        base = wid * per_w

        def body(t, carry):
            off = base + t * _CH
            pltpu.sync_copy(idx_hbm.at[pl.ds(off, _CH)], idx_v)
            pltpu.async_copy(tbl_hbm.at[idx_v], rows_v, sem).wait()
            pltpu.sync_copy(rows_v, out_hbm.at[pl.ds(off, _CH)])
            return carry

        lax.fori_loop(0, n_ch, body, 0)

    return gather_k



def _mlp_body(g_ref, nxyz_ref, w1_ref, b1_ref, w2_ref, b2_ref, w3_ref, b3_ref,
              wsc_ref, bsc_ref, out_ref):
    gb = g_ref[...]
    nb = nxyz_ref[...]
    sub = jnp.concatenate(
        [nb, jnp.zeros((SM, DP - 3), jnp.float32)], axis=1)[:, None, :]
    x = (gb - sub).reshape(SM * KNN, DP)
    h = jnp.maximum(
        jnp.dot(x, w1_ref[...], preferred_element_type=jnp.float32) + b1_ref[...], 0.0)
    h = jnp.maximum(
        jnp.dot(h, w2_ref[...], preferred_element_type=jnp.float32) + b2_ref[...], 0.0)
    h3 = jnp.dot(h, w3_ref[...], preferred_element_type=jnp.float32) + b3_ref[...]
    sc = jnp.dot(x, wsc_ref[...], preferred_element_type=jnp.float32) + bsc_ref[...]
    h = jnp.maximum(h3 + sc, 0.0).reshape(SM, KNN, OCP)
    out_ref[...] = jnp.max(h, axis=1)


def _run_mlp(g, nxyz_rows, w1, b1, w2, b2, w3, b3, wsc, bsc):
    n_tiles = (B * NPOINT) // SM
    wspec = lambda shape: pl.BlockSpec(shape, lambda i: (0,) * len(shape))
    return pl.pallas_call(
        _mlp_body,
        grid=(n_tiles,),
        in_specs=[
            pl.BlockSpec((SM, KNN, DP), lambda i: (i, 0, 0)),
            pl.BlockSpec((SM, 3), lambda i: (i, 0)),
            wspec((DP, ECP)), wspec((1, ECP)),
            wspec((ECP, ECP)), wspec((1, ECP)),
            wspec((ECP, OCP)), wspec((1, OCP)),
            wspec((DP, OCP)), wspec((1, OCP)),
        ],
        out_specs=pl.BlockSpec((SM, OCP), lambda i: (i, 0)),
        out_shape=jax.ShapeDtypeStruct((B * NPOINT, OCP), jnp.float32),
    )(g, nxyz_rows, w1, b1, w2, b2, w3, b3, wsc, bsc)



def _fold_bn(w, bias, g, beta):
    s = g / jnp.sqrt(jnp.float32(1.0) + jnp.float32(1e-5))
    return w * s[:, None], bias * s + beta


def kernel(xyz, pts, W1, b1, bn1_g, bn1_b, W2, b2, bn2_g, bn2_b,
           W3, b3, bn3_g, bn3_b, Wsc, bsc, bnsc_g, bnsc_b):
    xyz_t = jnp.transpose(xyz, (0, 2, 1))
    x12 = jnp.transpose(xyz_t, (1, 0, 2)).reshape(3 * B, NR, NC)
    start = jax.random.randint(jax.random.key(1), (B,), 0, N, dtype=jnp.int32)
    start12 = jnp.tile(start, 3)[:, None, None]

    nxyz_l = _run_fps(x12, start12)
    nl = nxyz_l.reshape(NPOINT, 128)[:, :3 * B]
    new_xyz = jnp.transpose(nl.reshape(NPOINT, B, 3), (1, 0, 2))
    nxyz_t = jnp.transpose(new_xyz, (0, 2, 1))

    idx_g = _run_knn(xyz, nxyz_t)
    idx_flat = jnp.transpose(idx_g, (0, 2, 1)).reshape(_TOT)

    tbl = jnp.concatenate(
        [xyz, pts, jnp.zeros((B, N, DP - CIN), jnp.float32)], axis=-1)
    tbl = tbl.reshape(B * N, DP)
    g = _make_sc_gather()(tbl, idx_flat)
    g = g.reshape(B * NPOINT, KNN, DP)

    w1e, b1e = _fold_bn(W1, b1, bn1_g, bn1_b)
    w2e, b2e = _fold_bn(W2, b2, bn2_g, bn2_b)
    w3e, b3e = _fold_bn(W3, b3, bn3_g, bn3_b)
    wse, bse = _fold_bn(Wsc, bsc, bnsc_g, bnsc_b)

    w1p = jnp.zeros((DP, ECP), jnp.float32).at[:CIN, :EC].set(w1e.T)
    b1p = jnp.zeros((1, ECP), jnp.float32).at[0, :EC].set(b1e)
    w2p = jnp.zeros((ECP, ECP), jnp.float32).at[:EC, :EC].set(w2e.T)
    b2p = jnp.zeros((1, ECP), jnp.float32).at[0, :EC].set(b2e)
    w3p = jnp.zeros((ECP, OCP), jnp.float32).at[:EC, :OUT_CH].set(w3e.T)
    b3p = jnp.zeros((1, OCP), jnp.float32).at[0, :OUT_CH].set(b3e)
    wsp = jnp.zeros((DP, OCP), jnp.float32).at[:CIN, :OUT_CH].set(wse.T)
    bsp = jnp.zeros((1, OCP), jnp.float32).at[0, :OUT_CH].set(bse)

    nxyz_rows = new_xyz.reshape(B * NPOINT, 3)
    new_pts = _run_mlp(g, nxyz_rows, w1p, b1p, w2p, b2p, w3p, b3p, wsp, bsp)
    new_pts = new_pts.reshape(B, NPOINT, OUT_CH)
    return new_xyz, new_pts

# --- scband reference (transcript-rebuilt; emitter-appended) ---
"""Pipeline reference for scband-point-set-abstraction-3865470566873 (READ-ONLY COPY).

The authoritative reference and input builder live on the scoring server;
editing this copy changes nothing except your own understanding.
"""

import jax, jax.numpy as jnp
import numpy as np

B, N, NPOINT, KNN = 4, 4096, 1024, 16
IN_CH, OUT_CH = 64, 128
CIN = IN_CH + 3
EC = int(CIN * 2.0)


def _bn(x, g, b):
    # BatchNorm1d in eval mode with fresh running stats (mean=0, var=1), eps=1e-5
    return (x - 0.0) / jnp.sqrt(1.0 + 1e-5) * g + b


def farthest_point_sample(xyz, npoint):
    Bb, Nn, _ = xyz.shape
    farthest = jax.random.randint(jax.random.key(1), (Bb,), 0, Nn, dtype=jnp.int32)
    distance = jnp.full((Bb, Nn), 1e10, dtype=xyz.dtype)
    centroids = jnp.zeros((Bb, npoint), dtype=jnp.int32)

    def body(i, state):
        cents, dist_state, far = state
        cents = cents.at[:, i].set(far)
        c = jnp.take_along_axis(xyz, jnp.broadcast_to(far[:, None, None], (Bb, 1, 3)), axis=1)
        d = jnp.sum((xyz - c) ** 2, axis=-1)
        dist_state = jnp.minimum(dist_state, d)
        far = jnp.argmax(dist_state, axis=-1).astype(jnp.int32)
        return (cents, dist_state, far)

    centroids, _, _ = jax.lax.fori_loop(0, npoint, body, (centroids, distance, farthest))
    return centroids


def index_points(points, idx):
    Bb = points.shape[0]
    C = points.shape[-1]
    if idx.ndim == 2:
        return jnp.take_along_axis(points, jnp.broadcast_to(idx[:, :, None], idx.shape + (C,)), axis=1)
    else:
        _, S, Kk = idx.shape
        flat = idx.reshape(Bb, S * Kk)
        g = jnp.take_along_axis(points, jnp.broadcast_to(flat[:, :, None], (Bb, S * Kk, C)), axis=1)
        return g.reshape(Bb, S, Kk, C)


def knn_point(k, xyz, new_xyz):
    dist = jnp.sum((xyz[:, None, :, :] - new_xyz[:, :, None, :]) ** 2, axis=3)
    neg_vals, idx = jax.lax.top_k(-dist, k)
    return -neg_vals, idx


def _forward(xyz, pts, W1, b1, bn1_g, bn1_b, W2, b2, bn2_g, bn2_b, W3, b3, bn3_g, bn3_b, Wsc, bsc, bnsc_g, bnsc_b):
    centroids = farthest_point_sample(jax.lax.stop_gradient(xyz), NPOINT)
    new_xyz = index_points(xyz, centroids)
    _, idx = knn_point(KNN, xyz, new_xyz)
    grouped_xyz = index_points(xyz, idx)
    grouped_pts = index_points(pts, idx)
    grouped_xyz_norm = grouped_xyz - new_xyz[:, :, None, :]
    grouped = jnp.concatenate([grouped_xyz_norm, grouped_pts], axis=-1)
    Bb, n, k, C = grouped.shape
    x = grouped.reshape(Bb * n * k, C)
    sc = _bn(x @ Wsc.T + bsc, bnsc_g, bnsc_b)
    h = jax.nn.relu(_bn(x @ W1.T + b1, bn1_g, bn1_b))
    h = jax.nn.relu(_bn(h @ W2.T + b2, bn2_g, bn2_b))
    h = _bn(h @ W3.T + b3, bn3_g, bn3_b)
    h = jax.nn.relu(h + sc)
    feats = h.reshape(Bb, n, k, -1)
    new_pts = jnp.max(feats, axis=2)
    return new_xyz, new_pts


def setup_inputs(seed: int = 0):
    key = jax.random.key(seed)
    ks = jax.random.split(key, 8)
    d = {}
    d["xyz"] = jax.random.normal(ks[0], (B, N, 3), dtype=jnp.float32)
    d["pts"] = jax.random.normal(ks[1], (B, N, IN_CH), dtype=jnp.float32)
    d["W1"] = jax.random.normal(ks[2], (EC, CIN), dtype=jnp.float32) * 0.05
    d["b1"] = jnp.zeros((EC,), dtype=jnp.float32)
    d["bn1_g"] = jnp.ones((EC,), dtype=jnp.float32)
    d["bn1_b"] = jnp.zeros((EC,), dtype=jnp.float32)
    d["W2"] = jax.random.normal(ks[3], (EC, EC), dtype=jnp.float32) * 0.05
    d["b2"] = jnp.zeros((EC,), dtype=jnp.float32)
    d["bn2_g"] = jnp.ones((EC,), dtype=jnp.float32)
    d["bn2_b"] = jnp.zeros((EC,), dtype=jnp.float32)
    d["W3"] = jax.random.normal(ks[4], (OUT_CH, EC), dtype=jnp.float32) * 0.05
    d["b3"] = jnp.zeros((OUT_CH,), dtype=jnp.float32)
    d["bn3_g"] = jnp.ones((OUT_CH,), dtype=jnp.float32)
    d["bn3_b"] = jnp.zeros((OUT_CH,), dtype=jnp.float32)
    d["Wsc"] = jax.random.normal(ks[5], (OUT_CH, CIN), dtype=jnp.float32) * 0.05
    d["bsc"] = jnp.zeros((OUT_CH,), dtype=jnp.float32)
    d["bnsc_g"] = jnp.ones((OUT_CH,), dtype=jnp.float32)
    d["bnsc_b"] = jnp.zeros((OUT_CH,), dtype=jnp.float32)
    return d


def reference(xyz, pts, W1, b1, bn1_g, bn1_b, W2, b2, bn2_g, bn2_b, W3, b3, bn3_g, bn3_b, Wsc, bsc, bnsc_g, bnsc_b):
    return _forward(xyz, pts, W1, b1, bn1_g, bn1_b, W2, b2, bn2_g, bn2_b, W3, b3, bn3_g, bn3_b, Wsc, bsc, bnsc_g, bnsc_b)

if __name__ == "__main__":
    import jax
    _d = setup_inputs()
    print(jax.jit(kernel)(*tuple(_d.values())))

</pallas_src>

<mosaic_0001>
#map = affine_map<(d0, d1) -> (0, 0)>
#map1 = affine_map<(d0, d1) -> (0)>
module attributes {stable_mosaic.version = 14 : i64} {
  func.func @gather_k(%arg0: i32, %arg1: i32, %arg2: memref<16384x128xf32, #tpu.memory_space<hbm>>, %arg3: memref<65536xi32, #tpu.memory_space<hbm>>, %arg4: memref<65536x128xf32, #tpu.memory_space<hbm>>, %arg5: memref<128xi32, #tpu.memory_space<vmem>>, %arg6: memref<128x128xf32, #tpu.memory_space<vmem>>, %arg7: memref<!tpu.dma_semaphore, #tpu.memory_space<semaphore_mem>>) attributes {dimension_semantics = [#tpu.dimension_semantics<core_parallel>, #tpu.dimension_semantics<subcore_parallel>], iteration_bounds = array<i64: 2, 16>, scalar_prefetch = 0 : i64, scratch_operands = 3 : i64, tpu.core_type = #tpu.core_type<sc_vector_subcore>, window_params = [{transform_indices = #map}, {transform_indices = #map1}, {transform_indices = #map}]} {
    %mul3A = arith.constant 2 : i32
    %mul3A_0 = arith.muli %arg1, %mul3A : i32
    %add3A = arith.addi %mul3A_0, %arg0 : i32
    %mul3A_1 = arith.constant 2048 : i32
    %mul3A_2 = arith.muli %add3A, %mul3A_1 : i32
    %scan3A = arith.constant 0 : i32
    %scan3A_3 = arith.constant 0 : i32
    %scan3A_4 = arith.constant 16 : i32
    %scan3A_5 = arith.addi %scan3A_3, %scan3A_4 : i32
    %scan3A_6 = arith.constant 1 : i32
    scf.for %scan3A_8 = %scan3A_3 to %scan3A_5 step %scan3A_6  : i32 {
      %mul3A_9 = arith.constant 128 : i32
      %mul3A_10 = arith.muli %scan3A_8, %mul3A_9 : i32
      %add3A_11 = arith.addi %mul3A_2, %mul3A_10 : i32
      "tpu.region"() ({
        %run_scoped3A = tpu.sem_alloc : memref<!tpu.dma_semaphore, #tpu.memory_space<semaphore_mem>>
        %dma_start3A_16 = tpu.memref_slice %arg3[%add3A_11] : memref<65536xi32, #tpu.memory_space<hbm>> -> memref<128xi32, #tpu.memory_space<hbm>>
        %dma_start3A_17 = tpu.memref_slice %arg3[%add3A_11] : memref<65536xi32, #tpu.memory_space<hbm>> -> memref<128xi32, #tpu.memory_space<hbm>>
        tpu.enqueue_dma source(%dma_start3A_17 : memref<128xi32, #tpu.memory_space<hbm>>) target(%arg5 : memref<128xi32, #tpu.memory_space<vmem>>) target_semaphore(%run_scoped3A : memref<!tpu.dma_semaphore, #tpu.memory_space<semaphore_mem>>)
        %dma_wait3A_18 = tpu.memref_slice %arg3[%add3A_11] : memref<65536xi32, #tpu.memory_space<hbm>> -> memref<128xi32, #tpu.memory_space<hbm>>
        %dma_wait3A_19 = tpu.memref_slice %arg3[%add3A_11] : memref<65536xi32, #tpu.memory_space<hbm>> -> memref<128xi32, #tpu.memory_space<hbm>>
        tpu.wait_dma2 semaphore(%run_scoped3A : memref<!tpu.dma_semaphore, #tpu.memory_space<semaphore_mem>>) src(%dma_wait3A_19 : memref<128xi32, #tpu.memory_space<hbm>>) dst(%arg5 : memref<128xi32, #tpu.memory_space<vmem>>)
        tpu.yield
      }) : () -> ()
      %dma_start3A = arith.constant 0 : i32
      %dma_start3A_12 = arith.constant 0 : i32
      %dma_start3A_13 = tpu.memref_slice %arg2[%dma_start3A, %dma_start3A_12] : memref<16384x128xf32, #tpu.memory_space<hbm>> -> memref<16384x128xf32, #tpu.memory_space<hbm>>
      tpu.enqueue_indirect_dma source(%dma_start3A_13 : memref<16384x128xf32, #tpu.memory_space<hbm>>) target(%arg6 : memref<128x128xf32, #tpu.memory_space<vmem>>) offsets(%arg5 : memref<128xi32, #tpu.memory_space<vmem>>) semaphore(%arg7 : memref<!tpu.dma_semaphore, #tpu.memory_space<semaphore_mem>>)
      %dma_wait3A = arith.constant 0 : i32
      %dma_wait3A_14 = arith.constant 0 : i32
      %dma_wait3A_15 = tpu.memref_slice %arg2[%dma_wait3A, %dma_wait3A_14] : memref<16384x128xf32, #tpu.memory_space<hbm>> -> memref<16384x128xf32, #tpu.memory_space<hbm>>
      tpu.wait_indirect_dma semaphore(%arg7 : memref<!tpu.dma_semaphore, #tpu.memory_space<semaphore_mem>>) src(%dma_wait3A_15 : memref<16384x128xf32, #tpu.memory_space<hbm>>) dst(%arg6 : memref<128x128xf32, #tpu.memory_space<vmem>>)
      "tpu.region"() ({
        %run_scoped3A = tpu.sem_alloc : memref<!tpu.dma_semaphore, #tpu.memory_space<semaphore_mem>>
        %dma_start3A_16 = arith.constant 0 : i32
        %dma_start3A_17 = tpu.memref_slice %arg4[%add3A_11, %dma_start3A_16] : memref<65536x128xf32, #tpu.memory_space<hbm>> -> memref<128x128xf32, #tpu.memory_space<hbm>>
        %dma_start3A_18 = arith.constant 0 : i32
        %dma_start3A_19 = tpu.memref_slice %arg4[%add3A_11, %dma_start3A_18] : memref<65536x128xf32, #tpu.memory_space<hbm>> -> memref<128x128xf32, #tpu.memory_space<hbm>>
        tpu.enqueue_dma source(%arg6 : memref<128x128xf32, #tpu.memory_space<vmem>>) target(%dma_start3A_19 : memref<128x128xf32, #tpu.memory_space<hbm>>) target_semaphore(%run_scoped3A : memref<!tpu.dma_semaphore, #tpu.memory_space<semaphore_mem>>)
        %dma_wait3A_20 = arith.constant 0 : i32
        %dma_wait3A_21 = tpu.memref_slice %arg4[%add3A_11, %dma_wait3A_20] : memref<65536x128xf32, #tpu.memory_space<hbm>> -> memref<128x128xf32, #tpu.memory_space<hbm>>
        %dma_wait3A_22 = arith.constant 0 : i32
        %dma_wait3A_23 = tpu.memref_slice %arg4[%add3A_11, %dma_wait3A_22] : memref<65536x128xf32, #tpu.memory_space<hbm>> -> memref<128x128xf32, #tpu.memory_space<hbm>>
        tpu.wait_dma2 semaphore(%run_scoped3A : memref<!tpu.dma_semaphore, #tpu.memory_space<semaphore_mem>>) src(%arg6 : memref<128x128xf32, #tpu.memory_space<vmem>>) dst(%dma_wait3A_23 : memref<128x128xf32, #tpu.memory_space<hbm>>)
        tpu.yield
      }) : () -> ()
    }
    %scan3A_7 = arith.constant 16 : i32
    return
  }
}

module attributes {stable_mosaic.version = 14 : i64} {
  func.func @_fps_body(%arg0: memref<12x8x512xf32, #tpu.memory_space<vmem>>, %arg1: memref<12x1x1xi32, #tpu.memory_space<vmem>>, %arg2: memref<1024x1x128xf32, #tpu.memory_space<vmem>>) attributes {dimension_semantics = [], scalar_prefetch = 0 : i64, scratch_operands = 0 : i64, tpu.core_type = #tpu.core_type<tc>} {
    %get3A = arith.constant 0 : index
    %get3A_0 = arith.constant 0 : index
    %get3A_1 = arith.constant 0 : index
    %get3A_2 = vector.load %arg0[%get3A, %get3A_0, %get3A_1] : memref<12x8x512xf32, #tpu.memory_space<vmem>>, vector<12x8x512xf32>
    %iota3A = tpu.iota {dimensions = array<i32: 1>} : vector<4x8x512xi32>
    %iota3A_3 = tpu.iota {dimensions = array<i32: 2>} : vector<4x8x512xi32>
    %mul3A = arith.constant 512 : i32
    %mul3A_4 = vector.broadcast %mul3A : i32 to vector<4x8x512xi32>
    %mul3A_5 = arith.muli %iota3A, %mul3A_4 : vector<4x8x512xi32>
    %add3A = arith.addi %mul3A_5, %iota3A_3 : vector<4x8x512xi32>
    %iota3A_6 = tpu.iota {dimensions = array<i32: 1>} : vector<12x8x512xi32>
    %iota3A_7 = tpu.iota {dimensions = array<i32: 2>} : vector<12x8x512xi32>
    %mul3A_8 = arith.constant 512 : i32
    %mul3A_9 = vector.broadcast %mul3A_8 : i32 to vector<12x8x512xi32>
    %mul3A_10 = arith.muli %iota3A_6, %mul3A_9 : vector<12x8x512xi32>
    %add3A_11 = arith.addi %mul3A_10, %iota3A_7 : vector<12x8x512xi32>
    %get3A_12 = arith.constant 0 : index
    %get3A_13 = arith.constant 0 : index
    %get3A_14 = arith.constant 0 : index
    %get3A_15 = vector.load %arg1[%get3A_12, %get3A_13, %get3A_14] : memref<12x1x1xi32, #tpu.memory_space<vmem>>, vector<12x1x1xi32>
    %broadcast_in_dim3A = arith.constant 1.000000e+10 : f32
    %broadcast_in_dim3A_16 = vector.broadcast %broadcast_in_dim3A : f32 to vector<4x8x512xf32>
    %iota3A_17 = tpu.iota {dimensions = array<i32: 2>} : vector<1x1x128xi32>
    %scan3A = arith.constant 0 : i32
    %scan3A_18 = arith.constant 1024 : i32
    %scan3A_19 = arith.addi %scan3A, %scan3A_18 : i32
    %scan3A_20 = arith.constant 1 : i32
    %scan3A_21:2 = scf.for %scan3A_23 = %scan3A to %scan3A_19 step %scan3A_20 iter_args(%scan3A_24 = %broadcast_in_dim3A_16, %scan3A_25 = %get3A_15) -> (vector<4x8x512xf32>, vector<12x1x1xi32>)  : i32 {
      %eq3A = vector.broadcast %scan3A_25 : vector<12x1x1xi32> to vector<12x8x512xi32>
      %eq3A_26 = arith.cmpi eq, %add3A_11, %eq3A : vector<12x8x512xi32>
      %jit3A = arith.constant 0.000000e+00 : f32
      %broadcast_in_dim3A_27 = vector.broadcast %jit3A : f32 to vector<12x8x512xf32>
      %select_n3A = arith.select %eq3A_26, %get3A_2, %broadcast_in_dim3A_27 : vector<12x8x512xi1>, vector<12x8x512xf32>
      %reduce_sum3A = arith.constant dense<0.000000e+00> : vector<12xf32>
      %reduce_sum3A_28 = vector.multi_reduction <add>, %select_n3A, %reduce_sum3A [1, 2] : vector<12x8x512xf32> to vector<12xf32>
      %broadcast_in_dim3A_29 = vector.shape_cast %reduce_sum3A_28 : vector<12xf32> to vector<12x1x1xf32>
      %broadcast_in_dim3A_30 = arith.constant 0.000000e+00 : f32
      %broadcast_in_dim3A_31 = vector.broadcast %broadcast_in_dim3A_30 : f32 to vector<1x1x128xf32>
      %slice3A = vector.extract_strided_slice %broadcast_in_dim3A_29 {offsets = [0, 0, 0], sizes = [1, 1, 1], strides = [1, 1, 1]} : vector<12x1x1xf32> to vector<1x1x1xf32>
      %broadcast_in_dim3A_32 = vector.shape_cast %slice3A : vector<1x1x1xf32> to vector<1x1x1xf32>
      %broadcast_in_dim3A_33 = vector.broadcast %broadcast_in_dim3A_32 : vector<1x1x1xf32> to vector<1x1x128xf32>
      %eq3A_34 = arith.constant 0 : i32
      %eq3A_35 = vector.broadcast %eq3A_34 : i32 to vector<1x1x128xi32>
      %eq3A_36 = arith.cmpi eq, %iota3A_17, %eq3A_35 : vector<1x1x128xi32>
      %select_n3A_37 = arith.select %eq3A_36, %broadcast_in_dim3A_33, %broadcast_in_dim3A_31 : vector<1x1x128xi1>, vector<1x1x128xf32>
      %slice3A_38 = vector.extract_strided_slice %broadcast_in_dim3A_29 {offsets = [4, 0, 0], sizes = [1, 1, 1], strides = [1, 1, 1]} : vector<12x1x1xf32> to vector<1x1x1xf32>
      %broadcast_in_dim3A_39 = vector.shape_cast %slice3A_38 : vector<1x1x1xf32> to vector<1x1x1xf32>
      %broadcast_in_dim3A_40 = vector.broadcast %broadcast_in_dim3A_39 : vector<1x1x1xf32> to vector<1x1x128xf32>
      %eq3A_41 = arith.constant 1 : i32
      %eq3A_42 = vector.broadcast %eq3A_41 : i32 to vector<1x1x128xi32>
      %eq3A_43 = arith.cmpi eq, %iota3A_17, %eq3A_42 : vector<1x1x128xi32>
      %select_n3A_44 = arith.select %eq3A_43, %broadcast_in_dim3A_40, %select_n3A_37 : vector<1x1x128xi1>, vector<1x1x128xf32>
      %slice3A_45 = vector.extract_strided_slice %broadcast_in_dim3A_29 {offsets = [8, 0, 0], sizes = [1, 1, 1], strides = [1, 1, 1]} : vector<12x1x1xf32> to vector<1x1x1xf32>
      %broadcast_in_dim3A_46 = vector.shape_cast %slice3A_45 : vector<1x1x1xf32> to vector<1x1x1xf32>
      %broadcast_in_dim3A_47 = vector.broadcast %broadcast_in_dim3A_46 : vector<1x1x1xf32> to vector<1x1x128xf32>
      %eq3A_48 = arith.constant 2 : i32
      %eq3A_49 = vector.broadcast %eq3A_48 : i32 to vector<1x1x128xi32>
      %eq3A_50 = arith.cmpi eq, %iota3A_17, %eq3A_49 : vector<1x1x128xi32>
      %select_n3A_51 = arith.select %eq3A_50, %broadcast_in_dim3A_47, %select_n3A_44 : vector<1x1x128xi1>, vector<1x1x128xf32>
      %slice3A_52 = vector.extract_strided_slice %broadcast_in_dim3A_29 {offsets = [1, 0, 0], sizes = [1, 1, 1], strides = [1, 1, 1]} : vector<12x1x1xf32> to vector<1x1x1xf32>
      %broadcast_in_dim3A_53 = vector.shape_cast %slice3A_52 : vector<1x1x1xf32> to vector<1x1x1xf32>
      %broadcast_in_dim3A_54 = vector.broadcast %broadcast_in_dim3A_53 : vector<1x1x1xf32> to vector<1x1x128xf32>
      %eq3A_55 = arith.constant 3 : i32
      %eq3A_56 = vector.broadcast %eq3A_55 : i32 to vector<1x1x128xi32>
      %eq3A_57 = arith.cmpi eq, %iota3A_17, %eq3A_56 : vector<1x1x128xi32>
      %select_n3A_58 = arith.select %eq3A_57, %broadcast_in_dim3A_54, %select_n3A_51 : vector<1x1x128xi1>, vector<1x1x128xf32>
      %slice3A_59 = vector.extract_strided_slice %broadcast_in_dim3A_29 {offsets = [5, 0, 0], sizes = [1, 1, 1], strides = [1, 1, 1]} : vector<12x1x1xf32> to vector<1x1x1xf32>
      %broadcast_in_dim3A_60 = vector.shape_cast %slice3A_59 : vector<1x1x1xf32> to vector<1x1x1xf32>
      %broadcast_in_dim3A_61 = vector.broadcast %broadcast_in_dim3A_60 : vector<1x1x1xf32> to vector<1x1x128xf32>
      %eq3A_62 = arith.constant 4 : i32
      %eq3A_63 = vector.broadcast %eq3A_62 : i32 to vector<1x1x128xi32>
      %eq3A_64 = arith.cmpi eq, %iota3A_17, %eq3A_63 : vector<1x1x128xi32>
      %select_n3A_65 = arith.select %eq3A_64, %broadcast_in_dim3A_61, %select_n3A_58 : vector<1x1x128xi1>, vector<1x1x128xf32>
      %slice3A_66 = vector.extract_strided_slice %broadcast_in_dim3A_29 {offsets = [9, 0, 0], sizes = [1, 1, 1], strides = [1, 1, 1]} : vector<12x1x1xf32> to vector<1x1x1xf32>
      %broadcast_in_dim3A_67 = vector.shape_cast %slice3A_66 : vector<1x1x1xf32> to vector<1x1x1xf32>
      %broadcast_in_dim3A_68 = vector.broadcast %broadcast_in_dim3A_67 : vector<1x1x1xf32> to vector<1x1x128xf32>
      %eq3A_69 = arith.constant 5 : i32
      %eq3A_70 = vector.broadcast %eq3A_69 : i32 to vector<1x1x128xi32>
      %eq3A_71 = arith.cmpi eq, %iota3A_17, %eq3A_70 : vector<1x1x128xi32>
      %select_n3A_72 = arith.select %eq3A_71, %broadcast_in_dim3A_68, %select_n3A_65 : vector<1x1x128xi1>, vector<1x1x128xf32>
      %slice3A_73 = vector.extract_strided_slice %broadcast_in_dim3A_29 {offsets = [2, 0, 0], sizes = [1, 1, 1], strides = [1, 1, 1]} : vector<12x1x1xf32> to vector<1x1x1xf32>
      %broadcast_in_dim3A_74 = vector.shape_cast %slice3A_73 : vector<1x1x1xf32> to vector<1x1x1xf32>
      %broadcast_in_dim3A_75 = vector.broadcast %broadcast_in_dim3A_74 : vector<1x1x1xf32> to vector<1x1x128xf32>
      %eq3A_76 = arith.constant 6 : i32
      %eq3A_77 = vector.broadcast %eq3A_76 : i32 to vector<1x1x128xi32>
      %eq3A_78 = arith.cmpi eq, %iota3A_17, %eq3A_77 : vector<1x1x128xi32>
      %select_n3A_79 = arith.select %eq3A_78, %broadcast_in_dim3A_75, %select_n3A_72 : vector<1x1x128xi1>, vector<1x1x128xf32>
      %slice3A_80 = vector.extract_strided_slice %broadcast_in_dim3A_29 {offsets = [6, 0, 0], sizes = [1, 1, 1], strides = [1, 1, 1]} : vector<12x1x1xf32> to vector<1x1x1xf32>
      %broadcast_in_dim3A_81 = vector.shape_cast %slice3A_80 : vector<1x1x1xf32> to vector<1x1x1xf32>
      %broadcast_in_dim3A_82 = vector.broadcast %broadcast_in_dim3A_81 : vector<1x1x1xf32> to vector<1x1x128xf32>
      %eq3A_83 = arith.constant 7 : i32
      %eq3A_84 = vector.broadcast %eq3A_83 : i32 to vector<1x1x128xi32>
      %eq3A_85 = arith.cmpi eq, %iota3A_17, %eq3A_84 : vector<1x1x128xi32>
      %select_n3A_86 = arith.select %eq3A_85, %broadcast_in_dim3A_82, %select_n3A_79 : vector<1x1x128xi1>, vector<1x1x128xf32>
      %slice3A_87 = vector.extract_strided_slice %broadcast_in_dim3A_29 {offsets = [10, 0, 0], sizes = [1, 1, 1], strides = [1, 1, 1]} : vector<12x1x1xf32> to vector<1x1x1xf32>
      %broadcast_in_dim3A_88 = vector.shape_cast %slice3A_87 : vector<1x1x1xf32> to vector<1x1x1xf32>
      %broadcast_in_dim3A_89 = vector.broadcast %broadcast_in_dim3A_88 : vector<1x1x1xf32> to vector<1x1x128xf32>
      %eq3A_90 = arith.constant 8 : i32
      %eq3A_91 = vector.broadcast %eq3A_90 : i32 to vector<1x1x128xi32>
      %eq3A_92 = arith.cmpi eq, %iota3A_17, %eq3A_91 : vector<1x1x128xi32>
      %select_n3A_93 = arith.select %eq3A_92, %broadcast_in_dim3A_89, %select_n3A_86 : vector<1x1x128xi1>, vector<1x1x128xf32>
      %slice3A_94 = vector.extract_strided_slice %broadcast_in_dim3A_29 {offsets = [3, 0, 0], sizes = [1, 1, 1], strides = [1, 1, 1]} : vector<12x1x1xf32> to vector<1x1x1xf32>
      %broadcast_in_dim3A_95 = vector.shape_cast %slice3A_94 : vector<1x1x1xf32> to vector<1x1x1xf32>
      %broadcast_in_dim3A_96 = vector.broadcast %broadcast_in_dim3A_95 : vector<1x1x1xf32> to vector<1x1x128xf32>
      %eq3A_97 = arith.constant 9 : i32
      %eq3A_98 = vector.broadcast %eq3A_97 : i32 to vector<1x1x128xi32>
      %eq3A_99 = arith.cmpi eq, %iota3A_17, %eq3A_98 : vector<1x1x128xi32>
      %select_n3A_100 = arith.select %eq3A_99, %broadcast_in_dim3A_96, %select_n3A_93 : vector<1x1x128xi1>, vector<1x1x128xf32>
      %slice3A_101 = vector.extract_strided_slice %broadcast_in_dim3A_29 {offsets = [7, 0, 0], sizes = [1, 1, 1], strides = [1, 1, 1]} : vector<12x1x1xf32> to vector<1x1x1xf32>
      %broadcast_in_dim3A_102 = vector.shape_cast %slice3A_101 : vector<1x1x1xf32> to vector<1x1x1xf32>
      %broadcast_in_dim3A_103 = vector.broadcast %broadcast_in_dim3A_102 : vector<1x1x1xf32> to vector<1x1x128xf32>
      %eq3A_104 = arith.constant 10 : i32
      %eq3A_105 = vector.broadcast %eq3A_104 : i32 to vector<1x1x128xi32>
      %eq3A_106 = arith.cmpi eq, %iota3A_17, %eq3A_105 : vector<1x1x128xi32>
      %select_n3A_107 = arith.select %eq3A_106, %broadcast_in_dim3A_103, %select_n3A_100 : vector<1x1x128xi1>, vector<1x1x128xf32>
      %slice3A_108 = vector.extract_strided_slice %broadcast_in_dim3A_29 {offsets = [11, 0, 0], sizes = [1, 1, 1], strides = [1, 1, 1]} : vector<12x1x1xf32> to vector<1x1x1xf32>
      %broadcast_in_dim3A_109 = vector.shape_cast %slice3A_108 : vector<1x1x1xf32> to vector<1x1x1xf32>
      %broadcast_in_dim3A_110 = vector.broadcast %broadcast_in_dim3A_109 : vector<1x1x1xf32> to vector<1x1x128xf32>
      %eq3A_111 = arith.constant 11 : i32
      %eq3A_112 = vector.broadcast %eq3A_111 : i32 to vector<1x1x128xi32>
      %eq3A_113 = arith.cmpi eq, %iota3A_17, %eq3A_112 : vector<1x1x128xi32>
      %select_n3A_114 = arith.select %eq3A_113, %broadcast_in_dim3A_110, %select_n3A_107 : vector<1x1x128xi1>, vector<1x1x128xf32>
      %swap3A = arith.index_cast %scan3A_23 : i32 to index
      %swap3A_115 = arith.constant 0 : index
      %swap3A_116 = arith.constant 0 : index
      %swap3A_117 = vector.load %arg2[%swap3A, %swap3A_115, %swap3A_116] : memref<1024x1x128xf32, #tpu.memory_space<vmem>>, vector<1x1x128xf32>
      tpu.vector_store %arg2[%swap3A, %swap3A_115, %swap3A_116], %select_n3A_114 {strides = array<i32>} : memref<1024x1x128xf32, #tpu.memory_space<vmem>>, vector<1x1x128xf32>,
      %sub3A = vector.broadcast %broadcast_in_dim3A_29 : vector<12x1x1xf32> to vector<12x8x512xf32>
      %sub3A_118 = arith.subf %get3A_2, %sub3A : vector<12x8x512xf32>
      %sub3A_119 = vector.broadcast %broadcast_in_dim3A_29 : vector<12x1x1xf32> to vector<12x8x512xf32>
      %sub3A_120 = arith.subf %get3A_2, %sub3A_119 : vector<12x8x512xf32>
      %mul3A_121 = arith.mulf %sub3A_118, %sub3A_120 : vector<12x8x512xf32>
      %reshape3A = vector.shape_cast %mul3A_121 : vector<12x8x512xf32> to vector<3x4x8x512xf32>
      %slice3A_122 = vector.extract_strided_slice %reshape3A {offsets = [0, 0, 0, 0], sizes = [1, 4, 8, 512], strides = [1, 1, 1, 1]} : vector<3x4x8x512xf32> to vector<1x4x8x512xf32>
      %squeeze3A = vector.shape_cast %slice3A_122 : vector<1x4x8x512xf32> to vector<4x8x512xf32>
      %slice3A_123 = vector.extract_strided_slice %reshape3A {offsets = [1, 0, 0, 0], sizes = [1, 4, 8, 512], strides = [1, 1, 1, 1]} : vector<3x4x8x512xf32> to vector<1x4x8x512xf32>
      %squeeze3A_124 = vector.shape_cast %slice3A_123 : vector<1x4x8x512xf32> to vector<4x8x512xf32>
      %add3A_125 = arith.addf %squeeze3A, %squeeze3A_124 : vector<4x8x512xf32>
      %slice3A_126 = vector.extract_strided_slice %reshape3A {offsets = [2, 0, 0, 0], sizes = [1, 4, 8, 512], strides = [1, 1, 1, 1]} : vector<3x4x8x512xf32> to vector<1x4x8x512xf32>
      %squeeze3A_127 = vector.shape_cast %slice3A_126 : vector<1x4x8x512xf32> to vector<4x8x512xf32>
      %add3A_128 = arith.addf %add3A_125, %squeeze3A_127 : vector<4x8x512xf32>
      %min3A = arith.minimumf %scan3A_24, %add3A_128 : vector<4x8x512xf32>
      %reduce_max3A = arith.constant dense<0xFF800000> : vector<4xf32>
      %reduce_max3A_129 = vector.multi_reduction <maximumf>, %min3A, %reduce_max3A [1, 2] : vector<4x8x512xf32> to vector<4xf32>
      %broadcast_in_dim3A_130 = vector.shape_cast %reduce_max3A_129 : vector<4xf32> to vector<4x1x1xf32>
      %eq3A_131 = vector.broadcast %broadcast_in_dim3A_130 : vector<4x1x1xf32> to vector<4x8x512xf32>
      %eq3A_132 = arith.cmpf oeq, %min3A, %eq3A_131 : vector<4x8x512xf32>
      %jit3A_133 = arith.constant 4096 : i32
      %broadcast_in_dim3A_134 = vector.broadcast %jit3A_133 : i32 to vector<4x8x512xi32>
      %select_n3A_135 = arith.select %eq3A_132, %add3A, %broadcast_in_dim3A_134 : vector<4x8x512xi1>, vector<4x8x512xi32>
      %reduce_min3A = arith.constant dense<2147483647> : vector<4xi32>
      %reduce_min3A_136 = vector.multi_reduction <minsi>, %select_n3A_135, %reduce_min3A [1, 2] : vector<4x8x512xi32> to vector<4xi32>
      %broadcast_in_dim3A_137 = vector.shape_cast %reduce_min3A_136 : vector<4xi32> to vector<4x1x1xi32>
      %concatenate3A = tpu.concatenate %broadcast_in_dim3A_137, %broadcast_in_dim3A_137, %broadcast_in_dim3A_137 in 0 : vector<4x1x1xi32>, vector<4x1x1xi32>, vector<4x1x1xi32> -> vector<12x1x1xi32>
      scf.yield %min3A, %concatenate3A : vector<4x8x512xf32>, vector<12x1x1xi32>
    }
    %scan3A_22 = arith.constant 1024 : i32
    return
  }
}

module attributes {stable_mosaic.version = 14 : i64} {
  func.func @_knn_body(%arg0: i32, %arg1: i32, %arg2: memref<1x4096x3xf32, #tpu.memory_space<vmem>>, %arg3: memref<1x3x256xf32, #tpu.memory_space<vmem>>, %arg4: memref<1x16x256xi32, #tpu.memory_space<vmem>>) attributes {dimension_semantics = [#tpu.dimension_semantics<arbitrary>, #tpu.dimension_semantics<arbitrary>], iteration_bounds = array<i64: 4, 4>, scalar_prefetch = 0 : i64, scratch_operands = 0 : i64, tpu.core_type = #tpu.core_type<tc>, window_params = [{transform_indices = @transform_0, window_bounds = array<i64: 1, 4096, 3>}, {transform_indices = @transform_1, window_bounds = array<i64: 1, 3, 256>}, {transform_indices = @transform_2, window_bounds = array<i64: 1, 16, 256>}]} {
    %get3A = arith.constant 0 : index
    %get3A_0 = arith.constant 0 : index
    %get3A_1 = arith.constant 0 : index
    %get3A_2 = vector.load %arg2[%get3A, %get3A_0, %get3A_1] : memref<1x4096x3xf32, #tpu.memory_space<vmem>>, vector<1x4096x3xf32>
    %get3A_3 = vector.shape_cast %get3A_2 : vector<1x4096x3xf32> to vector<4096x3xf32>
    %get3A_4 = arith.constant 0 : index
    %get3A_5 = arith.constant 0 : index
    %get3A_6 = arith.constant 0 : index
    %get3A_7 = vector.load %arg3[%get3A_4, %get3A_5, %get3A_6] : memref<1x3x256xf32, #tpu.memory_space<vmem>>, vector<1x3x256xf32>
    %get3A_8 = vector.shape_cast %get3A_7 : vector<1x3x256xf32> to vector<3x256xf32>
    %slice3A = vector.extract_strided_slice %get3A_3 {offsets = [0, 0], sizes = [4096, 1], strides = [1, 1]} : vector<4096x3xf32> to vector<4096x1xf32>
    %slice3A_9 = vector.extract_strided_slice %get3A_8 {offsets = [0, 0], sizes = [1, 256], strides = [1, 1]} : vector<3x256xf32> to vector<1x256xf32>
    %sub3A = vector.broadcast %slice3A : vector<4096x1xf32> to vector<4096x256xf32>
    %sub3A_10 = vector.broadcast %slice3A_9 : vector<1x256xf32> to vector<4096x256xf32>
    %sub3A_11 = arith.subf %sub3A, %sub3A_10 : vector<4096x256xf32>
    %slice3A_12 = vector.extract_strided_slice %get3A_3 {offsets = [0, 1], sizes = [4096, 1], strides = [1, 1]} : vector<4096x3xf32> to vector<4096x1xf32>
    %slice3A_13 = vector.extract_strided_slice %get3A_8 {offsets = [1, 0], sizes = [1, 256], strides = [1, 1]} : vector<3x256xf32> to vector<1x256xf32>
    %sub3A_14 = vector.broadcast %slice3A_12 : vector<4096x1xf32> to vector<4096x256xf32>
    %sub3A_15 = vector.broadcast %slice3A_13 : vector<1x256xf32> to vector<4096x256xf32>
    %sub3A_16 = arith.subf %sub3A_14, %sub3A_15 : vector<4096x256xf32>
    %slice3A_17 = vector.extract_strided_slice %get3A_3 {offsets = [0, 2], sizes = [4096, 1], strides = [1, 1]} : vector<4096x3xf32> to vector<4096x1xf32>
    %slice3A_18 = vector.extract_strided_slice %get3A_8 {offsets = [2, 0], sizes = [1, 256], strides = [1, 1]} : vector<3x256xf32> to vector<1x256xf32>
    %sub3A_19 = vector.broadcast %slice3A_17 : vector<4096x1xf32> to vector<4096x256xf32>
    %sub3A_20 = vector.broadcast %slice3A_18 : vector<1x256xf32> to vector<4096x256xf32>
    %sub3A_21 = arith.subf %sub3A_19, %sub3A_20 : vector<4096x256xf32>
    %mul3A = arith.mulf %sub3A_11, %sub3A_11 : vector<4096x256xf32>
    %mul3A_22 = arith.mulf %sub3A_16, %sub3A_16 : vector<4096x256xf32>
    %add3A = arith.addf %mul3A, %mul3A_22 : vector<4096x256xf32>
    %mul3A_23 = arith.mulf %sub3A_21, %sub3A_21 : vector<4096x256xf32>
    %add3A_24 = arith.addf %add3A, %mul3A_23 : vector<4096x256xf32>
    %bitcast_convert_type3A = tpu.bitcast %add3A_24 : vector<4096x256xf32> -> vector<4096x256xi32>
    %reshape3A = vector.shape_cast %bitcast_convert_type3A : vector<4096x256xi32> to vector<64x64x256xi32>
    %iota3A = tpu.iota {dimensions = array<i32: 1>} : vector<64x64x256xi32>
    %and3A = arith.constant -64 : i32
    %and3A_25 = vector.broadcast %and3A : i32 to vector<64x64x256xi32>
    %and3A_26 = arith.andi %reshape3A, %and3A_25 : vector<64x64x256xi32>
    %or3A = arith.ori %and3A_26, %iota3A : vector<64x64x256xi32>
    %reduce_min3A = arith.constant dense<2147483647> : vector<64x256xi32>
    %reduce_min3A_27 = vector.multi_reduction <minsi>, %or3A, %reduce_min3A [1] : vector<64x64x256xi32> to vector<64x256xi32>
    %iota3A_28 = tpu.iota {dimensions = array<i32: 0>} : vector<64x256xi32>
    %reduce_min3A_29 = arith.constant dense<2147483647> : vector<256xi32>
    %reduce_min3A_30 = vector.multi_reduction <minsi>, %reduce_min3A_27, %reduce_min3A_29 [0] : vector<64x256xi32> to vector<256xi32>
    %broadcast_in_dim3A = vector.shape_cast %reduce_min3A_30 : vector<256xi32> to vector<1x256xi32>
    %eq3A = vector.broadcast %broadcast_in_dim3A : vector<1x256xi32> to vector<64x256xi32>
    %eq3A_31 = arith.cmpi eq, %reduce_min3A_27, %eq3A : vector<64x256xi32>
    %jit3A = arith.constant 64 : i32
    %broadcast_in_dim3A_32 = vector.broadcast %jit3A : i32 to vector<64x256xi32>
    %select_n3A = arith.select %eq3A_31, %iota3A_28, %broadcast_in_dim3A_32 : vector<64x256xi1>, vector<64x256xi32>
    %reduce_min3A_33 = arith.constant dense<2147483647> : vector<256xi32>
    %reduce_min3A_34 = vector.multi_reduction <minsi>, %select_n3A, %reduce_min3A_33 [0] : vector<64x256xi32> to vector<256xi32>
    %broadcast_in_dim3A_35 = vector.shape_cast %reduce_min3A_34 : vector<256xi32> to vector<1x256xi32>
    %mul3A_36 = arith.constant 64 : i32
    %mul3A_37 = vector.broadcast %mul3A_36 : i32 to vector<1x256xi32>
    %mul3A_38 = arith.muli %broadcast_in_dim3A_35, %mul3A_37 : vector<1x256xi32>
    %and3A_39 = arith.constant 63 : i32
    %and3A_40 = vector.broadcast %and3A_39 : i32 to vector<1x256xi32>
    %and3A_41 = arith.andi %broadcast_in_dim3A, %and3A_40 : vector<1x256xi32>
    %add3A_42 = arith.addi %mul3A_38, %and3A_41 : vector<1x256xi32>
    %broadcast_in_dim3A_43 = vector.shape_cast %broadcast_in_dim3A : vector<1x256xi32> to vector<1x1x256xi32>
    %eq3A_44 = vector.broadcast %broadcast_in_dim3A_43 : vector<1x1x256xi32> to vector<64x64x256xi32>
    %eq3A_45 = arith.cmpi eq, %or3A, %eq3A_44 : vector<64x64x256xi32>
    %jit3A_46 = arith.constant 2147483647 : i32
    %broadcast_in_dim3A_47 = vector.broadcast %jit3A_46 : i32 to vector<64x64x256xi32>
    %select_n3A_48 = arith.select %eq3A_45, %broadcast_in_dim3A_47, %or3A : vector<64x64x256xi1>, vector<64x64x256xi32>
    %reduce_min3A_49 = arith.constant dense<2147483647> : vector<64x256xi32>
    %reduce_min3A_50 = vector.multi_reduction <minsi>, %select_n3A_48, %reduce_min3A_49 [1] : vector<64x64x256xi32> to vector<64x256xi32>
    %reduce_min3A_51 = arith.constant dense<2147483647> : vector<256xi32>
    %reduce_min3A_52 = vector.multi_reduction <minsi>, %reduce_min3A_50, %reduce_min3A_51 [0] : vector<64x256xi32> to vector<256xi32>
    %broadcast_in_dim3A_53 = vector.shape_cast %reduce_min3A_52 : vector<256xi32> to vector<1x256xi32>
    %eq3A_54 = vector.broadcast %broadcast_in_dim3A_53 : vector<1x256xi32> to vector<64x256xi32>
    %eq3A_55 = arith.cmpi eq, %reduce_min3A_50, %eq3A_54 : vector<64x256xi32>
    %jit3A_56 = arith.constant 64 : i32
    %broadcast_in_dim3A_57 = vector.broadcast %jit3A_56 : i32 to vector<64x256xi32>
    %select_n3A_58 = arith.select %eq3A_55, %iota3A_28, %broadcast_in_dim3A_57 : vector<64x256xi1>, vector<64x256xi32>
    %reduce_min3A_59 = arith.constant dense<2147483647> : vector<256xi32>
    %reduce_min3A_60 = vector.multi_reduction <minsi>, %select_n3A_58, %reduce_min3A_59 [0] : vector<64x256xi32> to vector<256xi32>
    %broadcast_in_dim3A_61 = vector.shape_cast %reduce_min3A_60 : vector<256xi32> to vector<1x256xi32>
    %mul3A_62 = arith.constant 64 : i32
    %mul3A_63 = vector.broadcast %mul3A_62 : i32 to vector<1x256xi32>
    %mul3A_64 = arith.muli %broadcast_in_dim3A_61, %mul3A_63 : vector<1x256xi32>
    %and3A_65 = arith.constant 63 : i32
    %and3A_66 = vector.broadcast %and3A_65 : i32 to vector<1x256xi32>
    %and3A_67 = arith.andi %broadcast_in_dim3A_53, %and3A_66 : vector<1x256xi32>
    %add3A_68 = arith.addi %mul3A_64, %and3A_67 : vector<1x256xi32>
    %broadcast_in_dim3A_69 = vector.shape_cast %broadcast_in_dim3A_53 : vector<1x256xi32> to vector<1x1x256xi32>
    %eq3A_70 = vector.broadcast %broadcast_in_dim3A_69 : vector<1x1x256xi32> to vector<64x64x256xi32>
    %eq3A_71 = arith.cmpi eq, %select_n3A_48, %eq3A_70 : vector<64x64x256xi32>
    %jit3A_72 = arith.constant 2147483647 : i32
    %broadcast_in_dim3A_73 = vector.broadcast %jit3A_72 : i32 to vector<64x64x256xi32>
    %select_n3A_74 = arith.select %eq3A_71, %broadcast_in_dim3A_73, %select_n3A_48 : vector<64x64x256xi1>, vector<64x64x256xi32>
    %reduce_min3A_75 = arith.constant dense<2147483647> : vector<64x256xi32>
    %reduce_min3A_76 = vector.multi_reduction <minsi>, %select_n3A_74, %reduce_min3A_75 [1] : vector<64x64x256xi32> to vector<64x256xi32>
    %reduce_min3A_77 = arith.constant dense<2147483647> : vector<256xi32>
    %reduce_min3A_78 = vector.multi_reduction <minsi>, %reduce_min3A_76, %reduce_min3A_77 [0] : vector<64x256xi32> to vector<256xi32>
    %broadcast_in_dim3A_79 = vector.shape_cast %reduce_min3A_78 : vector<256xi32> to vector<1x256xi32>
    %eq3A_80 = vector.broadcast %broadcast_in_dim3A_79 : vector<1x256xi32> to vector<64x256xi32>
    %eq3A_81 = arith.cmpi eq, %reduce_min3A_76, %eq3A_80 : vector<64x256xi32>
    %jit3A_82 = arith.constant 64 : i32
    %broadcast_in_dim3A_83 = vector.broadcast %jit3A_82 : i32 to vector<64x256xi32>
    %select_n3A_84 = arith.select %eq3A_81, %iota3A_28, %broadcast_in_dim3A_83 : vector<64x256xi1>, vector<64x256xi32>
    %reduce_min3A_85 = arith.constant dense<2147483647> : vector<256xi32>
    %reduce_min3A_86 = vector.multi_reduction <minsi>, %select_n3A_84, %reduce_min3A_85 [0] : vector<64x256xi32> to vector<256xi32>
    %broadcast_in_dim3A_87 = vector.shape_cast %reduce_min3A_86 : vector<256xi32> to vector<1x256xi32>
    %mul3A_88 = arith.constant 64 : i32
    %mul3A_89 = vector.broadcast %mul3A_88 : i32 to vector<1x256xi32>
    %mul3A_90 = arith.muli %broadcast_in_dim3A_87, %mul3A_89 : vector<1x256xi32>
    %and3A_91 = arith.constant 63 : i32
    %and3A_92 = vector.broadcast %and3A_91 : i32 to vector<1x256xi32>
    %and3A_93 = arith.andi %broadcast_in_dim3A_79, %and3A_92 : vector<1x256xi32>
    %add3A_94 = arith.addi %mul3A_90, %and3A_93 : vector<1x256xi32>
    %broadcast_in_dim3A_95 = vector.shape_cast %broadcast_in_dim3A_79 : vector<1x256xi32> to vector<1x1x256xi32>
    %eq3A_96 = vector.broadcast %broadcast_in_dim3A_95 : vector<1x1x256xi32> to vector<64x64x256xi32>
    %eq3A_97 = arith.cmpi eq, %select_n3A_74, %eq3A_96 : vector<64x64x256xi32>
    %jit3A_98 = arith.constant 2147483647 : i32
    %broadcast_in_dim3A_99 = vector.broadcast %jit3A_98 : i32 to vector<64x64x256xi32>
    %select_n3A_100 = arith.select %eq3A_97, %broadcast_in_dim3A_99, %select_n3A_74 : vector<64x64x256xi1>, vector<64x64x256xi32>
    %reduce_min3A_101 = arith.constant dense<2147483647> : vector<64x256xi32>
    %reduce_min3A_102 = vector.multi_reduction <minsi>, %select_n3A_100, %reduce_min3A_101 [1] : vector<64x64x256xi32> to vector<64x256xi32>
    %reduce_min3A_103 = arith.constant dense<2147483647> : vector<256xi32>
    %reduce_min3A_104 = vector.multi_reduction <minsi>, %reduce_min3A_102, %reduce_min3A_103 [0] : vector<64x256xi32> to vector<256xi32>
    %broadcast_in_dim3A_105 = vector.shape_cast %reduce_min3A_104 : vector<256xi32> to vector<1x256xi32>
    %eq3A_106 = vector.broadcast %broadcast_in_dim3A_105 : vector<1x256xi32> to vector<64x256xi32>
    %eq3A_107 = arith.cmpi eq, %reduce_min3A_102, %eq3A_106 : vector<64x256xi32>
    %jit3A_108 = arith.constant 64 : i32
    %broadcast_in_dim3A_109 = vector.broadcast %jit3A_108 : i32 to vector<64x256xi32>
    %select_n3A_110 = arith.select %eq3A_107, %iota3A_28, %broadcast_in_dim3A_109 : vector<64x256xi1>, vector<64x256xi32>
    %reduce_min3A_111 = arith.constant dense<2147483647> : vector<256xi32>
    %reduce_min3A_112 = vector.multi_reduction <minsi>, %select_n3A_110, %reduce_min3A_111 [0] : vector<64x256xi32> to vector<256xi32>
    %broadcast_in_dim3A_113 = vector.shape_cast %reduce_min3A_112 : vector<256xi32> to vector<1x256xi32>
    %mul3A_114 = arith.constant 64 : i32
    %mul3A_115 = vector.broadcast %mul3A_114 : i32 to vector<1x256xi32>
    %mul3A_116 = arith.muli %broadcast_in_dim3A_113, %mul3A_115 : vector<1x256xi32>
    %and3A_117 = arith.constant 63 : i32
    %and3A_118 = vector.broadcast %and3A_117 : i32 to vector<1x256xi32>
    %and3A_119 = arith.andi %broadcast_in_dim3A_105, %and3A_118 : vector<1x256xi32>
    %add3A_120 = arith.addi %mul3A_116, %and3A_119 : vector<1x256xi32>
    %broadcast_in_dim3A_121 = vector.shape_cast %broadcast_in_dim3A_105 : vector<1x256xi32> to vector<1x1x256xi32>
    %eq3A_122 = vector.broadcast %broadcast_in_dim3A_121 : vector<1x1x256xi32> to vector<64x64x256xi32>
    %eq3A_123 = arith.cmpi eq, %select_n3A_100, %eq3A_122 : vector<64x64x256xi32>
    %jit3A_124 = arith.constant 2147483647 : i32
    %broadcast_in_dim3A_125 = vector.broadcast %jit3A_124 : i32 to vector<64x64x256xi32>
    %select_n3A_126 = arith.select %eq3A_123, %broadcast_in_dim3A_125, %select_n3A_100 : vector<64x64x256xi1>, vector<64x64x256xi32>
    %reduce_min3A_127 = arith.constant dense<2147483647> : vector<64x256xi32>
    %reduce_min3A_128 = vector.multi_reduction <minsi>, %select_n3A_126, %reduce_min3A_127 [1] : vector<64x64x256xi32> to vector<64x256xi32>
    %reduce_min3A_129 = arith.constant dense<2147483647> : vector<256xi32>
    %reduce_min3A_130 = vector.multi_reduction <minsi>, %reduce_min3A_128, %reduce_min3A_129 [0] : vector<64x256xi32> to vector<256xi32>
    %broadcast_in_dim3A_131 = vector.shape_cast %reduce_min3A_130 : vector<256xi32> to vector<1x256xi32>
    %eq3A_132 = vector.broadcast %broadcast_in_dim3A_131 : vector<1x256xi32> to vector<64x256xi32>
    %eq3A_133 = arith.cmpi eq, %reduce_min3A_128, %eq3A_132 : vector<64x256xi32>
    %jit3A_134 = arith.constant 64 : i32
    %broadcast_in_dim3A_135 = vector.broadcast %jit3A_134 : i32 to vector<64x256xi32>
    %select_n3A_136 = arith.select %eq3A_133, %iota3A_28, %broadcast_in_dim3A_135 : vector<64x256xi1>, vector<64x256xi32>
    %reduce_min3A_137 = arith.constant dense<2147483647> : vector<256xi32>
    %reduce_min3A_138 = vector.multi_reduction <minsi>, %select_n3A_136, %reduce_min3A_137 [0] : vector<64x256xi32> to vector<256xi32>
    %broadcast_in_dim3A_139 = vector.shape_cast %reduce_min3A_138 : vector<256xi32> to vector<1x256xi32>
    %mul3A_140 = arith.constant 64 : i32
    %mul3A_141 = vector.broadcast %mul3A_140 : i32 to vector<1x256xi32>
    %mul3A_142 = arith.muli %broadcast_in_dim3A_139, %mul3A_141 : vector<1x256xi32>
    %and3A_143 = arith.constant 63 : i32
    %and3A_144 = vector.broadcast %and3A_143 : i32 to vector<1x256xi32>
    %and3A_145 = arith.andi %broadcast_in_dim3A_131, %and3A_144 : vector<1x256xi32>
    %add3A_146 = arith.addi %mul3A_142, %and3A_145 : vector<1x256xi32>
    %broadcast_in_dim3A_147 = vector.shape_cast %broadcast_in_dim3A_131 : vector<1x256xi32> to vector<1x1x256xi32>
    %eq3A_148 = vector.broadcast %broadcast_in_dim3A_147 : vector<1x1x256xi32> to vector<64x64x256xi32>
    %eq3A_149 = arith.cmpi eq, %select_n3A_126, %eq3A_148 : vector<64x64x256xi32>
    %jit3A_150 = arith.constant 2147483647 : i32
    %broadcast_in_dim3A_151 = vector.broadcast %jit3A_150 : i32 to vector<64x64x256xi32>
    %select_n3A_152 = arith.select %eq3A_149, %broadcast_in_dim3A_151, %select_n3A_126 : vector<64x64x256xi1>, vector<64x64x256xi32>
    %reduce_min3A_153 = arith.constant dense<2147483647> : vector<64x256xi32>
    %reduce_min3A_154 = vector.multi_reduction <minsi>, %select_n3A_152, %reduce_min3A_153 [1] : vector<64x64x256xi32> to vector<64x256xi32>
    %reduce_min3A_155 = arith.constant dense<2147483647> : vector<256xi32>
    %reduce_min3A_156 = vector.multi_reduction <minsi>, %reduce_min3A_154, %reduce_min3A_155 [0] : vector<64x256xi32> to vector<256xi32>
    %broadcast_in_dim3A_157 = vector.shape_cast %reduce_min3A_156 : vector<256xi32> to vector<1x256xi32>
    %eq3A_158 = vector.broadcast %broadcast_in_dim3A_157 : vector<1x256xi32> to vector<64x256xi32>
    %eq3A_159 = arith.cmpi eq, %reduce_min3A_154, %eq3A_158 : vector<64x256xi32>
    %jit3A_160 = arith.constant 64 : i32
    %broadcast_in_dim3A_161 = vector.broadcast %jit3A_160 : i32 to vector<64x256xi32>
    %select_n3A_162 = arith.select %eq3A_159, %iota3A_28, %broadcast_in_dim3A_161 : vector<64x256xi1>, vector<64x256xi32>
    %reduce_min3A_163 = arith.constant dense<2147483647> : vector<256xi32>
    %reduce_min3A_164 = vector.multi_reduction <minsi>, %select_n3A_162, %reduce_min3A_163 [0] : vector<64x256xi32> to vector<256xi32>
    %broadcast_in_dim3A_165 = vector.shape_cast %reduce_min3A_164 : vector<256xi32> to vector<1x256xi32>
    %mul3A_166 = arith.constant 64 : i32
    %mul3A_167 = vector.broadcast %mul3A_166 : i32 to vector<1x256xi32>
    %mul3A_168 = arith.muli %broadcast_in_dim3A_165, %mul3A_167 : vector<1x256xi32>
    %and3A_169 = arith.constant 63 : i32
    %and3A_170 = vector.broadcast %and3A_169 : i32 to vector<1x256xi32>
    %and3A_171 = arith.andi %broadcast_in_dim3A_157, %and3A_170 : vector<1x256xi32>
    %add3A_172 = arith.addi %mul3A_168, %and3A_171 : vector<1x256xi32>
    %broadcast_in_dim3A_173 = vector.shape_cast %broadcast_in_dim3A_157 : vector<1x256xi32> to vector<1x1x256xi32>
    %eq3A_174 = vector.broadcast %broadcast_in_dim3A_173 : vector<1x1x256xi32> to vector<64x64x256xi32>
    %eq3A_175 = arith.cmpi eq, %select_n3A_152, %eq3A_174 : vector<64x64x256xi32>
    %jit3A_176 = arith.constant 2147483647 : i32
    %broadcast_in_dim3A_177 = vector.broadcast %jit3A_176 : i32 to vector<64x64x256xi32>
    %select_n3A_178 = arith.select %eq3A_175, %broadcast_in_dim3A_177, %select_n3A_152 : vector<64x64x256xi1>, vector<64x64x256xi32>
    %reduce_min3A_179 = arith.constant dense<2147483647> : vector<64x256xi32>
    %reduce_min3A_180 = vector.multi_reduction <minsi>, %select_n3A_178, %reduce_min3A_179 [1] : vector<64x64x256xi32> to vector<64x256xi32>
    %reduce_min3A_181 = arith.constant dense<2147483647> : vector<256xi32>
    %reduce_min3A_182 = vector.multi_reduction <minsi>, %reduce_min3A_180, %reduce_min3A_181 [0] : vector<64x256xi32> to vector<256xi32>
    %broadcast_in_dim3A_183 = vector.shape_cast %reduce_min3A_182 : vector<256xi32> to vector<1x256xi32>
    %eq3A_184 = vector.broadcast %broadcast_in_dim3A_183 : vector<1x256xi32> to vector<64x256xi32>
    %eq3A_185 = arith.cmpi eq, %reduce_min3A_180, %eq3A_184 : vector<64x256xi32>
    %jit3A_186 = arith.constant 64 : i32
    %broadcast_in_dim3A_187 = vector.broadcast %jit3A_186 : i32 to vector<64x256xi32>
    %select_n3A_188 = arith.select %eq3A_185, %iota3A_28, %broadcast_in_dim3A_187 : vector<64x256xi1>, vector<64x256xi32>
    %reduce_min3A_189 = arith.constant dense<2147483647> : vector<256xi32>
    %reduce_min3A_190 = vector.multi_reduction <minsi>, %select_n3A_188, %reduce_min3A_189 [0] : vector<64x256xi32> to vector<256xi32>
    %broadcast_in_dim3A_191 = vector.shape_cast %reduce_min3A_190 : vector<256xi32> to vector<1x256xi32>
    %mul3A_192 = arith.constant 64 : i32
    %mul3A_193 = vector.broadcast %mul3A_192 : i32 to vector<1x256xi32>
    %mul3A_194 = arith.muli %broadcast_in_dim3A_191, %mul3A_193 : vector<1x256xi32>
    %and3A_195 = arith.constant 63 : i32
    %and3A_196 = vector.broadcast %and3A_195 : i32 to vector<1x256xi32>
    %and3A_197 = arith.andi %broadcast_in_dim3A_183, %and3A_196 : vector<1x256xi32>
    %add3A_198 = arith.addi %mul3A_194, %and3A_197 : vector<1x256xi32>
    %broadcast_in_dim3A_199 = vector.shape_cast %broadcast_in_dim3A_183 : vector<1x256xi32> to vector<1x1x256xi32>
    %eq3A_200 = vector.broadcast %broadcast_in_dim3A_199 : vector<1x1x256xi32> to vector<64x64x256xi32>
    %eq3A_201 = arith.cmpi eq, %select_n3A_178, %eq3A_200 : vector<64x64x256xi32>
    %jit3A_202 = arith.constant 2147483647 : i32
    %broadcast_in_dim3A_203 = vector.broadcast %jit3A_202 : i32 to vector<64x64x256xi32>
    %select_n3A_204 = arith.select %eq3A_201, %broadcast_in_dim3A_203, %select_n3A_178 : vector<64x64x256xi1>, vector<64x64x256xi32>
    %reduce_min3A_205 = arith.constant dense<2147483647> : vector<64x256xi32>
    %reduce_min3A_206 = vector.multi_reduction <minsi>, %select_n3A_204, %reduce_min3A_205 [1] : vector<64x64x256xi32> to vector<64x256xi32>
    %reduce_min3A_207 = arith.constant dense<2147483647> : vector<256xi32>
    %reduce_min3A_208 = vector.multi_reduction <minsi>, %reduce_min3A_206, %reduce_min3A_207 [0] : vector<64x256xi32> to vector<256xi32>
    %broadcast_in_dim3A_209 = vector.shape_cast %reduce_min3A_208 : vector<256xi32> to vector<1x256xi32>
    %eq3A_210 = vector.broadcast %broadcast_in_dim3A_209 : vector<1x256xi32> to vector<64x256xi32>
    %eq3A_211 = arith.cmpi eq, %reduce_min3A_206, %eq3A_210 : vector<64x256xi32>
    %jit3A_212 = arith.constant 64 : i32
    %broadcast_in_dim3A_213 = vector.broadcast %jit3A_212 : i32 to vector<64x256xi32>
    %select_n3A_214 = arith.select %eq3A_211, %iota3A_28, %broadcast_in_dim3A_213 : vector<64x256xi1>, vector<64x256xi32>
    %reduce_min3A_215 = arith.constant dense<2147483647> : vector<256xi32>
    %reduce_min3A_216 = vector.multi_reduction <minsi>, %select_n3A_214, %reduce_min3A_215 [0] : vector<64x256xi32> to vector<256xi32>
    %broadcast_in_dim3A_217 = vector.shape_cast %reduce_min3A_216 : vector<256xi32> to vector<1x256xi32>
    %mul3A_218 = arith.constant 64 : i32
    %mul3A_219 = vector.broadcast %mul3A_218 : i32 to vector<1x256xi32>
    %mul3A_220 = arith.muli %broadcast_in_dim3A_217, %mul3A_219 : vector<1x256xi32>
    %and3A_221 = arith.constant 63 : i32
    %and3A_222 = vector.broadcast %and3A_221 : i32 to vector<1x256xi32>
    %and3A_223 = arith.andi %broadcast_in_dim3A_209, %and3A_222 : vector<1x256xi32>
    %add3A_224 = arith.addi %mul3A_220, %and3A_223 : vector<1x256xi32>
    %broadcast_in_dim3A_225 = vector.shape_cast %broadcast_in_dim3A_209 : vector<1x256xi32> to vector<1x1x256xi32>
    %eq3A_226 = vector.broadcast %broadcast_in_dim3A_225 : vector<1x1x256xi32> to vector<64x64x256xi32>
    %eq3A_227 = arith.cmpi eq, %select_n3A_204, %eq3A_226 : vector<64x64x256xi32>
    %jit3A_228 = arith.constant 2147483647 : i32
    %broadcast_in_dim3A_229 = vector.broadcast %jit3A_228 : i32 to vector<64x64x256xi32>
    %select_n3A_230 = arith.select %eq3A_227, %broadcast_in_dim3A_229, %select_n3A_204 : vector<64x64x256xi1>, vector<64x64x256xi32>
    %reduce_min3A_231 = arith.constant dense<2147483647> : vector<64x256xi32>
    %reduce_min3A_232 = vector.multi_reduction <minsi>, %select_n3A_230, %reduce_min3A_231 [1] : vector<64x64x256xi32> to vector<64x256xi32>
    %reduce_min3A_233 = arith.constant dense<2147483647> : vector<256xi32>
    %reduce_min3A_234 = vector.multi_reduction <minsi>, %reduce_min3A_232, %reduce_min3A_233 [0] : vector<64x256xi32> to vector<256xi32>
    %broadcast_in_dim3A_235 = vector.shape_cast %reduce_min3A_234 : vector<256xi32> to vector<1x256xi32>
    %eq3A_236 = vector.broadcast %broadcast_in_dim3A_235 : vector<1x256xi32> to vector<64x256xi32>
    %eq3A_237 = arith.cmpi eq, %reduce_min3A_232, %eq3A_236 : vector<64x256xi32>
    %jit3A_238 = arith.constant 64 : i32
    %broadcast_in_dim3A_239 = vector.broadcast %jit3A_238 : i32 to vector<64x256xi32>
    %select_n3A_240 = arith.select %eq3A_237, %iota3A_28, %broadcast_in_dim3A_239 : vector<64x256xi1>, vector<64x256xi32>
    %reduce_min3A_241 = arith.constant dense<2147483647> : vector<256xi32>
    %reduce_min3A_242 = vector.multi_reduction <minsi>, %select_n3A_240, %reduce_min3A_241 [0] : vector<64x256xi32> to vector<256xi32>
    %broadcast_in_dim3A_243 = vector.shape_cast %reduce_min3A_242 : vector<256xi32> to vector<1x256xi32>
    %mul3A_244 = arith.constant 64 : i32
    %mul3A_245 = vector.broadcast %mul3A_244 : i32 to vector<1x256xi32>
    %mul3A_246 = arith.muli %broadcast_in_dim3A_243, %mul3A_245 : vector<1x256xi32>
    %and3A_247 = arith.constant 63 : i32
    %and3A_248 = vector.broadcast %and3A_247 : i32 to vector<1x256xi32>
    %and3A_249 = arith.andi %broadcast_in_dim3A_235, %and3A_248 : vector<1x256xi32>
    %add3A_250 = arith.addi %mul3A_246, %and3A_249 : vector<1x256xi32>
    %broadcast_in_dim3A_251 = vector.shape_cast %broadcast_in_dim3A_235 : vector<1x256xi32> to vector<1x1x256xi32>
    %eq3A_252 = vector.broadcast %broadcast_in_dim3A_251 : vector<1x1x256xi32> to vector<64x64x256xi32>
    %eq3A_253 = arith.cmpi eq, %select_n3A_230, %eq3A_252 : vector<64x64x256xi32>
    %jit3A_254 = arith.constant 2147483647 : i32
    %broadcast_in_dim3A_255 = vector.broadcast %jit3A_254 : i32 to vector<64x64x256xi32>
    %select_n3A_256 = arith.select %eq3A_253, %broadcast_in_dim3A_255, %select_n3A_230 : vector<64x64x256xi1>, vector<64x64x256xi32>
    %reduce_min3A_257 = arith.constant dense<2147483647> : vector<64x256xi32>
    %reduce_min3A_258 = vector.multi_reduction <minsi>, %select_n3A_256, %reduce_min3A_257 [1] : vector<64x64x256xi32> to vector<64x256xi32>
    %reduce_min3A_259 = arith.constant dense<2147483647> : vector<256xi32>
    %reduce_min3A_260 = vector.multi_reduction <minsi>, %reduce_min3A_258, %reduce_min3A_259 [0] : vector<64x256xi32> to vector<256xi32>
    %broadcast_in_dim3A_261 = vector.shape_cast %reduce_min3A_260 : vector<256xi32> to vector<1x256xi32>
    %eq3A_262 = vector.broadcast %broadcast_in_dim3A_261 : vector<1x256xi32> to vector<64x256xi32>
    %eq3A_263 = arith.cmpi eq, %reduce_min3A_258, %eq3A_262 : vector<64x256xi32>
    %jit3A_264 = arith.constant 64 : i32
    %broadcast_in_dim3A_265 = vector.broadcast %jit3A_264 : i32 to vector<64x256xi32>
    %select_n3A_266 = arith.select %eq3A_263, %iota3A_28, %broadcast_in_dim3A_265 : vector<64x256xi1>, vector<64x256xi32>
    %reduce_min3A_267 = arith.constant dense<2147483647> : vector<256xi32>
    %reduce_min3A_268 = vector.multi_reduction <minsi>, %select_n3A_266, %reduce_min3A_267 [0] : vector<64x256xi32> to vector<256xi32>
    %broadcast_in_dim3A_269 = vector.shape_cast %reduce_min3A_268 : vector<256xi32> to vector<1x256xi32>
    %mul3A_270 = arith.constant 64 : i32
    %mul3A_271 = vector.broadcast %mul3A_270 : i32 to vector<1x256xi32>
    %mul3A_272 = arith.muli %broadcast_in_dim3A_269, %mul3A_271 : vector<1x256xi32>
    %and3A_273 = arith.constant 63 : i32
    %and3A_274 = vector.broadcast %and3A_273 : i32 to vector<1x256xi32>
    %and3A_275 = arith.andi %broadcast_in_dim3A_261, %and3A_274 : vector<1x256xi32>
    %add3A_276 = arith.addi %mul3A_272, %and3A_275 : vector<1x256xi32>
    %broadcast_in_dim3A_277 = vector.shape_cast %broadcast_in_dim3A_261 : vector<1x256xi32> to vector<1x1x256xi32>
    %eq3A_278 = vector.broadcast %broadcast_in_dim3A_277 : vector<1x1x256xi32> to vector<64x64x256xi32>
    %eq3A_279 = arith.cmpi eq, %select_n3A_256, %eq3A_278 : vector<64x64x256xi32>
    %jit3A_280 = arith.constant 2147483647 : i32
    %broadcast_in_dim3A_281 = vector.broadcast %jit3A_280 : i32 to vector<64x64x256xi32>
    %select_n3A_282 = arith.select %eq3A_279, %broadcast_in_dim3A_281, %select_n3A_256 : vector<64x64x256xi1>, vector<64x64x256xi32>
    %reduce_min3A_283 = arith.constant dense<2147483647> : vector<64x256xi32>
    %reduce_min3A_284 = vector.multi_reduction <minsi>, %select_n3A_282, %reduce_min3A_283 [1] : vector<64x64x256xi32> to vector<64x256xi32>
    %reduce_min3A_285 = arith.constant dense<2147483647> : vector<256xi32>
    %reduce_min3A_286 = vector.multi_reduction <minsi>, %reduce_min3A_284, %reduce_min3A_285 [0] : vector<64x256xi32> to vector<256xi32>
    %broadcast_in_dim3A_287 = vector.shape_cast %reduce_min3A_286 : vector<256xi32> to vector<1x256xi32>
    %eq3A_288 = vector.broadcast %broadcast_in_dim3A_287 : vector<1x256xi32> to vector<64x256xi32>
    %eq3A_289 = arith.cmpi eq, %reduce_min3A_284, %eq3A_288 : vector<64x256xi32>
    %jit3A_290 = arith.constant 64 : i32
    %broadcast_in_dim3A_291 = vector.broadcast %jit3A_290 : i32 to vector<64x256xi32>
    %select_n3A_292 = arith.select %eq3A_289, %iota3A_28, %broadcast_in_dim3A_291 : vector<64x256xi1>, vector<64x256xi32>
    %reduce_min3A_293 = arith.constant dense<2147483647> : vector<256xi32>
    %reduce_min3A_294 = vector.multi_reduction <minsi>, %select_n3A_292, %reduce_min3A_293 [0] : vector<64x256xi32> to vector<256xi32>
    %broadcast_in_dim3A_295 = vector.shape_cast %reduce_min3A_294 : vector<256xi32> to vector<1x256xi32>
    %mul3A_296 = arith.constant 64 : i32
    %mul3A_297 = vector.broadcast %mul3A_296 : i32 to vector<1x256xi32>
    %mul3A_298 = arith.muli %broadcast_in_dim3A_295, %mul3A_297 : vector<1x256xi32>
    %and3A_299 = arith.constant 63 : i32
    %and3A_300 = vector.broadcast %and3A_299 : i32 to vector<1x256xi32>
    %and3A_301 = arith.andi %broadcast_in_dim3A_287, %and3A_300 : vector<1x256xi32>
    %add3A_302 = arith.addi %mul3A_298, %and3A_301 : vector<1x256xi32>
    %broadcast_in_dim3A_303 = vector.shape_cast %broadcast_in_dim3A_287 : vector<1x256xi32> to vector<1x1x256xi32>
    %eq3A_304 = vector.broadcast %broadcast_in_dim3A_303 : vector<1x1x256xi32> to vector<64x64x256xi32>
    %eq3A_305 = arith.cmpi eq, %select_n3A_282, %eq3A_304 : vector<64x64x256xi32>
    %jit3A_306 = arith.constant 2147483647 : i32
    %broadcast_in_dim3A_307 = vector.broadcast %jit3A_306 : i32 to vector<64x64x256xi32>
    %select_n3A_308 = arith.select %eq3A_305, %broadcast_in_dim3A_307, %select_n3A_282 : vector<64x64x256xi1>, vector<64x64x256xi32>
    %reduce_min3A_309 = arith.constant dense<2147483647> : vector<64x256xi32>
    %reduce_min3A_310 = vector.multi_reduction <minsi>, %select_n3A_308, %reduce_min3A_309 [1] : vector<64x64x256xi32> to vector<64x256xi32>
    %reduce_min3A_311 = arith.constant dense<2147483647> : vector<256xi32>
    %reduce_min3A_312 = vector.multi_reduction <minsi>, %reduce_min3A_310, %reduce_min3A_311 [0] : vector<64x256xi32> to vector<256xi32>
    %broadcast_in_dim3A_313 = vector.shape_cast %reduce_min3A_312 : vector<256xi32> to vector<1x256xi32>
    %eq3A_314 = vector.broadcast %broadcast_in_dim3A_313 : vector<1x256xi32> to vector<64x256xi32>
    %eq3A_315 = arith.cmpi eq, %reduce_min3A_310, %eq3A_314 : vector<64x256xi32>
    %jit3A_316 = arith.constant 64 : i32
    %broadcast_in_dim3A_317 = vector.broadcast %jit3A_316 : i32 to vector<64x256xi32>
    %select_n3A_318 = arith.select %eq3A_315, %iota3A_28, %broadcast_in_dim3A_317 : vector<64x256xi1>, vector<64x256xi32>
    %reduce_min3A_319 = arith.constant dense<2147483647> : vector<256xi32>
    %reduce_min3A_320 = vector.multi_reduction <minsi>, %select_n3A_318, %reduce_min3A_319 [0] : vector<64x256xi32> to vector<256xi32>
    %broadcast_in_dim3A_321 = vector.shape_cast %reduce_min3A_320 : vector<256xi32> to vector<1x256xi32>
    %mul3A_322 = arith.constant 64 : i32
    %mul3A_323 = vector.broadcast %mul3A_322 : i32 to vector<1x256xi32>
    %mul3A_324 = arith.muli %broadcast_in_dim3A_321, %mul3A_323 : vector<1x256xi32>
    %and3A_325 = arith.constant 63 : i32
    %and3A_326 = vector.broadcast %and3A_325 : i32 to vector<1x256xi32>
    %and3A_327 = arith.andi %broadcast_in_dim3A_313, %and3A_326 : vector<1x256xi32>
    %add3A_328 = arith.addi %mul3A_324, %and3A_327 : vector<1x256xi32>
    %broadcast_in_dim3A_329 = vector.shape_cast %broadcast_in_dim3A_313 : vector<1x256xi32> to vector<1x1x256xi32>
    %eq3A_330 = vector.broadcast %broadcast_in_dim3A_329 : vector<1x1x256xi32> to vector<64x64x256xi32>
    %eq3A_331 = arith.cmpi eq, %select_n3A_308, %eq3A_330 : vector<64x64x256xi32>
    %jit3A_332 = arith.constant 2147483647 : i32
    %broadcast_in_dim3A_333 = vector.broadcast %jit3A_332 : i32 to vector<64x64x256xi32>
    %select_n3A_334 = arith.select %eq3A_331, %broadcast_in_dim3A_333, %select_n3A_308 : vector<64x64x256xi1>, vector<64x64x256xi32>
    %reduce_min3A_335 = arith.constant dense<2147483647> : vector<64x256xi32>
    %reduce_min3A_336 = vector.multi_reduction <minsi>, %select_n3A_334, %reduce_min3A_335 [1] : vector<64x64x256xi32> to vector<64x256xi32>
    %reduce_min3A_337 = arith.constant dense<2147483647> : vector<256xi32>
    %reduce_min3A_338 = vector.multi_reduction <minsi>, %reduce_min3A_336, %reduce_min3A_337 [0] : vector<64x256xi32> to vector<256xi32>
    %broadcast_in_dim3A_339 = vector.shape_cast %reduce_min3A_338 : vector<256xi32> to vector<1x256xi32>
    %eq3A_340 = vector.broadcast %broadcast_in_dim3A_339 : vector<1x256xi32> to vector<64x256xi32>
    %eq3A_341 = arith.cmpi eq, %reduce_min3A_336, %eq3A_340 : vector<64x256xi32>
    %jit3A_342 = arith.constant 64 : i32
    %broadcast_in_dim3A_343 = vector.broadcast %jit3A_342 : i32 to vector<64x256xi32>
    %select_n3A_344 = arith.select %eq3A_341, %iota3A_28, %broadcast_in_dim3A_343 : vector<64x256xi1>, vector<64x256xi32>
    %reduce_min3A_345 = arith.constant dense<2147483647> : vector<256xi32>
    %reduce_min3A_346 = vector.multi_reduction <minsi>, %select_n3A_344, %reduce_min3A_345 [0] : vector<64x256xi32> to vector<256xi32>
    %broadcast_in_dim3A_347 = vector.shape_cast %reduce_min3A_346 : vector<256xi32> to vector<1x256xi32>
    %mul3A_348 = arith.constant 64 : i32
    %mul3A_349 = vector.broadcast %mul3A_348 : i32 to vector<1x256xi32>
    %mul3A_350 = arith.muli %broadcast_in_dim3A_347, %mul3A_349 : vector<1x256xi32>
    %and3A_351 = arith.constant 63 : i32
    %and3A_352 = vector.broadcast %and3A_351 : i32 to vector<1x256xi32>
    %and3A_353 = arith.andi %broadcast_in_dim3A_339, %and3A_352 : vector<1x256xi32>
    %add3A_354 = arith.addi %mul3A_350, %and3A_353 : vector<1x256xi32>
    %broadcast_in_dim3A_355 = vector.shape_cast %broadcast_in_dim3A_339 : vector<1x256xi32> to vector<1x1x256xi32>
    %eq3A_356 = vector.broadcast %broadcast_in_dim3A_355 : vector<1x1x256xi32> to vector<64x64x256xi32>
    %eq3A_357 = arith.cmpi eq, %select_n3A_334, %eq3A_356 : vector<64x64x256xi32>
    %jit3A_358 = arith.constant 2147483647 : i32
    %broadcast_in_dim3A_359 = vector.broadcast %jit3A_358 : i32 to vector<64x64x256xi32>
    %select_n3A_360 = arith.select %eq3A_357, %broadcast_in_dim3A_359, %select_n3A_334 : vector<64x64x256xi1>, vector<64x64x256xi32>
    %reduce_min3A_361 = arith.constant dense<2147483647> : vector<64x256xi32>
    %reduce_min3A_362 = vector.multi_reduction <minsi>, %select_n3A_360, %reduce_min3A_361 [1] : vector<64x64x256xi32> to vector<64x256xi32>
    %reduce_min3A_363 = arith.constant dense<2147483647> : vector<256xi32>
    %reduce_min3A_364 = vector.multi_reduction <minsi>, %reduce_min3A_362, %reduce_min3A_363 [0] : vector<64x256xi32> to vector<256xi32>
    %broadcast_in_dim3A_365 = vector.shape_cast %reduce_min3A_364 : vector<256xi32> to vector<1x256xi32>
    %eq3A_366 = vector.broadcast %broadcast_in_dim3A_365 : vector<1x256xi32> to vector<64x256xi32>
    %eq3A_367 = arith.cmpi eq, %reduce_min3A_362, %eq3A_366 : vector<64x256xi32>
    %jit3A_368 = arith.constant 64 : i32
    %broadcast_in_dim3A_369 = vector.broadcast %jit3A_368 : i32 to vector<64x256xi32>
    %select_n3A_370 = arith.select %eq3A_367, %iota3A_28, %broadcast_in_dim3A_369 : vector<64x256xi1>, vector<64x256xi32>
    %reduce_min3A_371 = arith.constant dense<2147483647> : vector<256xi32>
    %reduce_min3A_372 = vector.multi_reduction <minsi>, %select_n3A_370, %reduce_min3A_371 [0] : vector<64x256xi32> to vector<256xi32>
    %broadcast_in_dim3A_373 = vector.shape_cast %reduce_min3A_372 : vector<256xi32> to vector<1x256xi32>
    %mul3A_374 = arith.constant 64 : i32
    %mul3A_375 = vector.broadcast %mul3A_374 : i32 to vector<1x256xi32>
    %mul3A_376 = arith.muli %broadcast_in_dim3A_373, %mul3A_375 : vector<1x256xi32>
    %and3A_377 = arith.constant 63 : i32
    %and3A_378 = vector.broadcast %and3A_377 : i32 to vector<1x256xi32>
    %and3A_379 = arith.andi %broadcast_in_dim3A_365, %and3A_378 : vector<1x256xi32>
    %add3A_380 = arith.addi %mul3A_376, %and3A_379 : vector<1x256xi32>
    %broadcast_in_dim3A_381 = vector.shape_cast %broadcast_in_dim3A_365 : vector<1x256xi32> to vector<1x1x256xi32>
    %eq3A_382 = vector.broadcast %broadcast_in_dim3A_381 : vector<1x1x256xi32> to vector<64x64x256xi32>
    %eq3A_383 = arith.cmpi eq, %select_n3A_360, %eq3A_382 : vector<64x64x256xi32>
    %jit3A_384 = arith.constant 2147483647 : i32
    %broadcast_in_dim3A_385 = vector.broadcast %jit3A_384 : i32 to vector<64x64x256xi32>
    %select_n3A_386 = arith.select %eq3A_383, %broadcast_in_dim3A_385, %select_n3A_360 : vector<64x64x256xi1>, vector<64x64x256xi32>
    %reduce_min3A_387 = arith.constant dense<2147483647> : vector<64x256xi32>
    %reduce_min3A_388 = vector.multi_reduction <minsi>, %select_n3A_386, %reduce_min3A_387 [1] : vector<64x64x256xi32> to vector<64x256xi32>
    %reduce_min3A_389 = arith.constant dense<2147483647> : vector<256xi32>
    %reduce_min3A_390 = vector.multi_reduction <minsi>, %reduce_min3A_388, %reduce_min3A_389 [0] : vector<64x256xi32> to vector<256xi32>
    %broadcast_in_dim3A_391 = vector.shape_cast %reduce_min3A_390 : vector<256xi32> to vector<1x256xi32>
    %eq3A_392 = vector.broadcast %broadcast_in_dim3A_391 : vector<1x256xi32> to vector<64x256xi32>
    %eq3A_393 = arith.cmpi eq, %reduce_min3A_388, %eq3A_392 : vector<64x256xi32>
    %jit3A_394 = arith.constant 64 : i32
    %broadcast_in_dim3A_395 = vector.broadcast %jit3A_394 : i32 to vector<64x256xi32>
    %select_n3A_396 = arith.select %eq3A_393, %iota3A_28, %broadcast_in_dim3A_395 : vector<64x256xi1>, vector<64x256xi32>
    %reduce_min3A_397 = arith.constant dense<2147483647> : vector<256xi32>
    %reduce_min3A_398 = vector.multi_reduction <minsi>, %select_n3A_396, %reduce_min3A_397 [0] : vector<64x256xi32> to vector<256xi32>
    %broadcast_in_dim3A_399 = vector.shape_cast %reduce_min3A_398 : vector<256xi32> to vector<1x256xi32>
    %mul3A_400 = arith.constant 64 : i32
    %mul3A_401 = vector.broadcast %mul3A_400 : i32 to vector<1x256xi32>
    %mul3A_402 = arith.muli %broadcast_in_dim3A_399, %mul3A_401 : vector<1x256xi32>
    %and3A_403 = arith.constant 63 : i32
    %and3A_404 = vector.broadcast %and3A_403 : i32 to vector<1x256xi32>
    %and3A_405 = arith.andi %broadcast_in_dim3A_391, %and3A_404 : vector<1x256xi32>
    %add3A_406 = arith.addi %mul3A_402, %and3A_405 : vector<1x256xi32>
    %broadcast_in_dim3A_407 = vector.shape_cast %broadcast_in_dim3A_391 : vector<1x256xi32> to vector<1x1x256xi32>
    %eq3A_408 = vector.broadcast %broadcast_in_dim3A_407 : vector<1x1x256xi32> to vector<64x64x256xi32>
    %eq3A_409 = arith.cmpi eq, %select_n3A_386, %eq3A_408 : vector<64x64x256xi32>
    %jit3A_410 = arith.constant 2147483647 : i32
    %broadcast_in_dim3A_411 = vector.broadcast %jit3A_410 : i32 to vector<64x64x256xi32>
    %select_n3A_412 = arith.select %eq3A_409, %broadcast_in_dim3A_411, %select_n3A_386 : vector<64x64x256xi1>, vector<64x64x256xi32>
    %reduce_min3A_413 = arith.constant dense<2147483647> : vector<64x256xi32>
    %reduce_min3A_414 = vector.multi_reduction <minsi>, %select_n3A_412, %reduce_min3A_413 [1] : vector<64x64x256xi32> to vector<64x256xi32>
    %reduce_min3A_415 = arith.constant dense<2147483647> : vector<256xi32>
    %reduce_min3A_416 = vector.multi_reduction <minsi>, %reduce_min3A_414, %reduce_min3A_415 [0] : vector<64x256xi32> to vector<256xi32>
    %broadcast_in_dim3A_417 = vector.shape_cast %reduce_min3A_416 : vector<256xi32> to vector<1x256xi32>
    %eq3A_418 = vector.broadcast %broadcast_in_dim3A_417 : vector<1x256xi32> to vector<64x256xi32>
    %eq3A_419 = arith.cmpi eq, %reduce_min3A_414, %eq3A_418 : vector<64x256xi32>
    %jit3A_420 = arith.constant 64 : i32
    %broadcast_in_dim3A_421 = vector.broadcast %jit3A_420 : i32 to vector<64x256xi32>
    %select_n3A_422 = arith.select %eq3A_419, %iota3A_28, %broadcast_in_dim3A_421 : vector<64x256xi1>, vector<64x256xi32>
    %reduce_min3A_423 = arith.constant dense<2147483647> : vector<256xi32>
    %reduce_min3A_424 = vector.multi_reduction <minsi>, %select_n3A_422, %reduce_min3A_423 [0] : vector<64x256xi32> to vector<256xi32>
    %broadcast_in_dim3A_425 = vector.shape_cast %reduce_min3A_424 : vector<256xi32> to vector<1x256xi32>
    %mul3A_426 = arith.constant 64 : i32
    %mul3A_427 = vector.broadcast %mul3A_426 : i32 to vector<1x256xi32>
    %mul3A_428 = arith.muli %broadcast_in_dim3A_425, %mul3A_427 : vector<1x256xi32>
    %and3A_429 = arith.constant 63 : i32
    %and3A_430 = vector.broadcast %and3A_429 : i32 to vector<1x256xi32>
    %and3A_431 = arith.andi %broadcast_in_dim3A_417, %and3A_430 : vector<1x256xi32>
    %add3A_432 = arith.addi %mul3A_428, %and3A_431 : vector<1x256xi32>
    %concatenate3A = tpu.concatenate %add3A_42, %add3A_68, %add3A_94, %add3A_120, %add3A_146, %add3A_172, %add3A_198, %add3A_224, %add3A_250, %add3A_276, %add3A_302, %add3A_328, %add3A_354, %add3A_380, %add3A_406, %add3A_432 in 0 : vector<1x256xi32>, vector<1x256xi32>, vector<1x256xi32>, vector<1x256xi32>, vector<1x256xi32>, vector<1x256xi32>, vector<1x256xi32>, vector<1x256xi32>, vector<1x256xi32>, vector<1x256xi32>, vector<1x256xi32>, vector<1x256xi32>, vector<1x256xi32>, vector<1x256xi32>, vector<1x256xi32>, vector<1x256xi32> -> vector<16x256xi32>
    %mul3A_433 = arith.constant 4096 : i32
    %mul3A_434 = arith.muli %arg0, %mul3A_433 : i32
    %add3A_435 = vector.broadcast %mul3A_434 : i32 to vector<16x256xi32>
    %add3A_436 = arith.addi %concatenate3A, %add3A_435 : vector<16x256xi32>
    %swap3A = arith.constant 0 : index
    %swap3A_437 = arith.constant 0 : index
    %swap3A_438 = arith.constant 0 : index
    %swap3A_439 = vector.load %arg4[%swap3A, %swap3A_437, %swap3A_438] : memref<1x16x256xi32, #tpu.memory_space<vmem>>, vector<1x16x256xi32>
    %swap3A_440 = vector.shape_cast %swap3A_439 : vector<1x16x256xi32> to vector<16x256xi32>
    %swap3A_441 = vector.shape_cast %add3A_436 : vector<16x256xi32> to vector<1x16x256xi32>
    tpu.vector_store %arg4[%swap3A, %swap3A_437, %swap3A_438], %swap3A_441 {strides = array<i32>} : memref<1x16x256xi32, #tpu.memory_space<vmem>>, vector<1x16x256xi32>,
    return
  }
  func.func @transform_0(%arg0: i32, %arg1: i32) -> (i32, i32, i32) {
    %c0_i32 = arith.constant 0 : i32
    %c0_i32_0 = arith.constant 0 : i32
    %c0_i32_1 = arith.constant 0 : i32
    return %arg0, %c0_i32, %c0_i32_0 : i32, i32, i32
  }
  func.func @transform_1(%arg0: i32, %arg1: i32) -> (i32, i32, i32) {
    %c0_i32 = arith.constant 0 : i32
    %c0_i32_0 = arith.constant 0 : i32
    return %arg0, %c0_i32, %arg1 : i32, i32, i32
  }
  func.func @transform_2(%arg0: i32, %arg1: i32) -> (i32, i32, i32) {
    %c0_i32 = arith.constant 0 : i32
    %c0_i32_0 = arith.constant 0 : i32
    return %arg0, %c0_i32, %arg1 : i32, i32, i32
  }
}

module attributes {stable_mosaic.version = 14 : i64} {
  func.func @_mlp_body(%arg0: i32, %arg1: memref<128x16x128xf32, #tpu.memory_space<vmem>>, %arg2: memref<128x3xf32, #tpu.memory_space<vmem>>, %arg3: memref<128x256xf32, #tpu.memory_space<vmem>>, %arg4: memref<1x256xf32, #tpu.memory_space<vmem>>, %arg5: memref<256x256xf32, #tpu.memory_space<vmem>>, %arg6: memref<1x256xf32, #tpu.memory_space<vmem>>, %arg7: memref<256x128xf32, #tpu.memory_space<vmem>>, %arg8: memref<1x128xf32, #tpu.memory_space<vmem>>, %arg9: memref<128x128xf32, #tpu.memory_space<vmem>>, %arg10: memref<1x128xf32, #tpu.memory_space<vmem>>, %arg11: memref<128x128xf32, #tpu.memory_space<vmem>>) attributes {dimension_semantics = [#tpu.dimension_semantics<arbitrary>], iteration_bounds = array<i64: 32>, scalar_prefetch = 0 : i64, scratch_operands = 0 : i64, tpu.core_type = #tpu.core_type<tc>, window_params = [{transform_indices = @transform_0, window_bounds = array<i64: 128, 16, 128>}, {transform_indices = @transform_1, window_bounds = array<i64: 128, 3>}, {pipeline_mode = #tpu.pipeline_mode<synchronous>, transform_indices = @transform_2, window_bounds = array<i64: 128, 256>}, {pipeline_mode = #tpu.pipeline_mode<synchronous>, transform_indices = @transform_3, window_bounds = array<i64: 1, 256>}, {pipeline_mode = #tpu.pipeline_mode<synchronous>, transform_indices = @transform_4, window_bounds = array<i64: 256, 256>}, {pipeline_mode = #tpu.pipeline_mode<synchronous>, transform_indices = @transform_5, window_bounds = array<i64: 1, 256>}, {pipeline_mode = #tpu.pipeline_mode<synchronous>, transform_indices = @transform_6, window_bounds = array<i64: 256, 128>}, {pipeline_mode = #tpu.pipeline_mode<synchronous>, transform_indices = @transform_7, window_bounds = array<i64: 1, 128>}, {pipeline_mode = #tpu.pipeline_mode<synchronous>, transform_indices = @transform_8, window_bounds = array<i64: 128, 128>}, {pipeline_mode = #tpu.pipeline_mode<synchronous>, transform_indices = @transform_9, window_bounds = array<i64: 1, 128>}, {transform_indices = @transform_10, window_bounds = array<i64: 128, 128>}]} {
    %get3A = arith.constant 0 : index
    %get3A_0 = arith.constant 0 : index
    %get3A_1 = arith.constant 0 : index
    %get3A_2 = vector.load %arg1[%get3A, %get3A_0, %get3A_1] : memref<128x16x128xf32, #tpu.memory_space<vmem>>, vector<128x16x128xf32>
    %get3A_3 = arith.constant 0 : index
    %get3A_4 = arith.constant 0 : index
    %get3A_5 = vector.load %arg2[%get3A_3, %get3A_4] : memref<128x3xf32, #tpu.memory_space<vmem>>, vector<128x3xf32>
    %broadcast_in_dim3A = arith.constant 0.000000e+00 : f32
    %broadcast_in_dim3A_6 = vector.broadcast %broadcast_in_dim3A : f32 to vector<128x125xf32>
    %concatenate3A = tpu.concatenate %get3A_5, %broadcast_in_dim3A_6 in 1 : vector<128x3xf32>, vector<128x125xf32> -> vector<128x128xf32>
    %broadcast_in_dim3A_7 = vector.shape_cast %concatenate3A : vector<128x128xf32> to vector<128x1x128xf32>
    %sub3A = vector.broadcast %broadcast_in_dim3A_7 : vector<128x1x128xf32> to vector<128x16x128xf32>
    %sub3A_8 = arith.subf %get3A_2, %sub3A : vector<128x16x128xf32>
    %reshape3A = vector.shape_cast %sub3A_8 : vector<128x16x128xf32> to vector<2048x128xf32>
    %get3A_9 = arith.constant 0 : index
    %get3A_10 = arith.constant 0 : index
    %get3A_11 = vector.load %arg3[%get3A_9, %get3A_10] : memref<128x256xf32, #tpu.memory_space<vmem>>, vector<128x256xf32>
    %dot_general3A = arith.constant dense<0.000000e+00> : vector<2048x256xf32>
    %dot_general3A_12 = tpu.matmul %reshape3A, %get3A_11, %dot_general3A {dimension_numbers = #tpu.dot_dimension_numbers<[1], [0], [0], [1], [0, 0, 1, 1], [], []>, transpose_lhs_hint = false} : vector<2048x128xf32>, vector<128x256xf32>, vector<2048x256xf32> -> vector<2048x256xf32>
    %get3A_13 = arith.constant 0 : index
    %get3A_14 = arith.constant 0 : index
    %get3A_15 = vector.load %arg4[%get3A_13, %get3A_14] : memref<1x256xf32, #tpu.memory_space<vmem>>, vector<1x256xf32>
    %add3A = vector.broadcast %get3A_15 : vector<1x256xf32> to vector<2048x256xf32>
    %add3A_16 = arith.addf %dot_general3A_12, %add3A : vector<2048x256xf32>
    %max3A = arith.constant 0.000000e+00 : f32
    %max3A_17 = vector.broadcast %max3A : f32 to vector<2048x256xf32>
    %max3A_18 = arith.maximumf %add3A_16, %max3A_17 : vector<2048x256xf32>
    %get3A_19 = arith.constant 0 : index
    %get3A_20 = arith.constant 0 : index
    %get3A_21 = vector.load %arg5[%get3A_19, %get3A_20] : memref<256x256xf32, #tpu.memory_space<vmem>>, vector<256x256xf32>
    %dot_general3A_22 = arith.constant dense<0.000000e+00> : vector<2048x256xf32>
    %dot_general3A_23 = tpu.matmul %max3A_18, %get3A_21, %dot_general3A_22 {dimension_numbers = #tpu.dot_dimension_numbers<[1], [0], [0], [1], [0, 0, 1, 1], [], []>, transpose_lhs_hint = false} : vector<2048x256xf32>, vector<256x256xf32>, vector<2048x256xf32> -> vector<2048x256xf32>
    %get3A_24 = arith.constant 0 : index
    %get3A_25 = arith.constant 0 : index
    %get3A_26 = vector.load %arg6[%get3A_24, %get3A_25] : memref<1x256xf32, #tpu.memory_space<vmem>>, vector<1x256xf32>
    %add3A_27 = vector.broadcast %get3A_26 : vector<1x256xf32> to vector<2048x256xf32>
    %add3A_28 = arith.addf %dot_general3A_23, %add3A_27 : vector<2048x256xf32>
    %max3A_29 = arith.constant 0.000000e+00 : f32
    %max3A_30 = vector.broadcast %max3A_29 : f32 to vector<2048x256xf32>
    %max3A_31 = arith.maximumf %add3A_28, %max3A_30 : vector<2048x256xf32>
    %get3A_32 = arith.constant 0 : index
    %get3A_33 = arith.constant 0 : index
    %get3A_34 = vector.load %arg7[%get3A_32, %get3A_33] : memref<256x128xf32, #tpu.memory_space<vmem>>, vector<256x128xf32>
    %dot_general3A_35 = arith.constant dense<0.000000e+00> : vector<2048x128xf32>
    %dot_general3A_36 = tpu.matmul %max3A_31, %get3A_34, %dot_general3A_35 {dimension_numbers = #tpu.dot_dimension_numbers<[1], [0], [0], [1], [0, 0, 1, 1], [], []>, transpose_lhs_hint = false} : vector<2048x256xf32>, vector<256x128xf32>, vector<2048x128xf32> -> vector<2048x128xf32>
    %get3A_37 = arith.constant 0 : index
    %get3A_38 = arith.constant 0 : index
    %get3A_39 = vector.load %arg8[%get3A_37, %get3A_38] : memref<1x128xf32, #tpu.memory_space<vmem>>, vector<1x128xf32>
    %add3A_40 = vector.broadcast %get3A_39 : vector<1x128xf32> to vector<2048x128xf32>
    %add3A_41 = arith.addf %dot_general3A_36, %add3A_40 : vector<2048x128xf32>
    %get3A_42 = arith.constant 0 : index
    %get3A_43 = arith.constant 0 : index
    %get3A_44 = vector.load %arg9[%get3A_42, %get3A_43] : memref<128x128xf32, #tpu.memory_space<vmem>>, vector<128x128xf32>
    %dot_general3A_45 = arith.constant dense<0.000000e+00> : vector<2048x128xf32>
    %dot_general3A_46 = tpu.matmul %reshape3A, %get3A_44, %dot_general3A_45 {dimension_numbers = #tpu.dot_dimension_numbers<[1], [0], [0], [1], [0, 0, 1, 1], [], []>, transpose_lhs_hint = false} : vector<2048x128xf32>, vector<128x128xf32>, vector<2048x128xf32> -> vector<2048x128xf32>
    %get3A_47 = arith.constant 0 : index
    %get3A_48 = arith.constant 0 : index
    %get3A_49 = vector.load %arg10[%get3A_47, %get3A_48] : memref<1x128xf32, #tpu.memory_space<vmem>>, vector<1x128xf32>
    %add3A_50 = vector.broadcast %get3A_49 : vector<1x128xf32> to vector<2048x128xf32>
    %add3A_51 = arith.addf %dot_general3A_46, %add3A_50 : vector<2048x128xf32>
    %add3A_52 = arith.addf %add3A_41, %add3A_51 : vector<2048x128xf32>
    %max3A_53 = arith.constant 0.000000e+00 : f32
    %max3A_54 = vector.broadcast %max3A_53 : f32 to vector<2048x128xf32>
    %max3A_55 = arith.maximumf %add3A_52, %max3A_54 : vector<2048x128xf32>
    %reshape3A_56 = vector.shape_cast %max3A_55 : vector<2048x128xf32> to vector<128x16x128xf32>
    %reduce_max3A = arith.constant dense<0xFF800000> : vector<128x128xf32>
    %reduce_max3A_57 = vector.multi_reduction <maximumf>, %reshape3A_56, %reduce_max3A [1] : vector<128x16x128xf32> to vector<128x128xf32>
    %swap3A = arith.constant 0 : index
    %swap3A_58 = arith.constant 0 : index
    %swap3A_59 = vector.load %arg11[%swap3A, %swap3A_58] : memref<128x128xf32, #tpu.memory_space<vmem>>, vector<128x128xf32>
    tpu.vector_store %arg11[%swap3A, %swap3A_58], %reduce_max3A_57 {strides = array<i32>} : memref<128x128xf32, #tpu.memory_space<vmem>>, vector<128x128xf32>,
    return
  }
  func.func @transform_0(%arg0: i32) -> (i32, i32, i32) {
    %c0_i32 = arith.constant 0 : i32
    %c0_i32_0 = arith.constant 0 : i32
    %c0_i32_1 = arith.constant 0 : i32
    return %arg0, %c0_i32, %c0_i32_0 : i32, i32, i32
  }
  func.func @transform_1(%arg0: i32) -> (i32, i32) {
    %c0_i32 = arith.constant 0 : i32
    %c0_i32_0 = arith.constant 0 : i32
    return %arg0, %c0_i32 : i32, i32
  }
  func.func @transform_2(%arg0: i32) -> (i32, i32) {
    %c0_i32 = arith.constant 0 : i32
    %c0_i32_0 = arith.constant 0 : i32
    %c0_i32_1 = arith.constant 0 : i32
    return %c0_i32, %c0_i32_0 : i32, i32
  }
  func.func @transform_3(%arg0: i32) -> (i32, i32) {
    %c0_i32 = arith.constant 0 : i32
    %c0_i32_0 = arith.constant 0 : i32
    %c0_i32_1 = arith.constant 0 : i32
    return %c0_i32, %c0_i32_0 : i32, i32
  }
  func.func @transform_4(%arg0: i32) -> (i32, i32) {
    %c0_i32 = arith.constant 0 : i32
    %c0_i32_0 = arith.constant 0 : i32
    %c0_i32_1 = arith.constant 0 : i32
    return %c0_i32, %c0_i32_0 : i32, i32
  }
  func.func @transform_5(%arg0: i32) -> (i32, i32) {
    %c0_i32 = arith.constant 0 : i32
    %c0_i32_0 = arith.constant 0 : i32
    %c0_i32_1 = arith.constant 0 : i32
    return %c0_i32, %c0_i32_0 : i32, i32
  }
  func.func @transform_6(%arg0: i32) -> (i32, i32) {
    %c0_i32 = arith.constant 0 : i32
    %c0_i32_0 = arith.constant 0 : i32
    %c0_i32_1 = arith.constant 0 : i32
    return %c0_i32, %c0_i32_0 : i32, i32
  }
  func.func @transform_7(%arg0: i32) -> (i32, i32) {
    %c0_i32 = arith.constant 0 : i32
    %c0_i32_0 = arith.constant 0 : i32
    %c0_i32_1 = arith.constant 0 : i32
    return %c0_i32, %c0_i32_0 : i32, i32
  }
  func.func @transform_8(%arg0: i32) -> (i32, i32) {
    %c0_i32 = arith.constant 0 : i32
    %c0_i32_0 = arith.constant 0 : i32
    %c0_i32_1 = arith.constant 0 : i32
    return %c0_i32, %c0_i32_0 : i32, i32
  }
  func.func @transform_9(%arg0: i32) -> (i32, i32) {
    %c0_i32 = arith.constant 0 : i32
    %c0_i32_0 = arith.constant 0 : i32
    %c0_i32_1 = arith.constant 0 : i32
    return %c0_i32, %c0_i32_0 : i32, i32
  }
  func.func @transform_10(%arg0: i32) -> (i32, i32) {
    %c0_i32 = arith.constant 0 : i32
    %c0_i32_0 = arith.constant 0 : i32
    return %arg0, %c0_i32 : i32, i32
  }
}

</mosaic_0001>

<sc_bundles>
// kernel: kernel.6.cloned.1.call-start
scs
__scs_entry_jumppad:
0x0: {  	(pc) =	sbr.rel $0x88, $3  }
0x1: {  	(tag) =	ssettag $0x0;
	lr =	simm.s32 $0x1  }
0x2: {  	[smem:$0x3F8F] =	sst lr;
	_ =	strace $0xD0000000  }
0x3: {  	_ = 	snop  }
0x4: {  	_ = 	snop  }
0x5: {  	_ = 	snop  }
0x6: {  	_ = 	snop  }
0x7: {  	_ = 	snop  }
__scs_overlays_trampoline_lowered:
0x8: {  	[smem:$0x3F9E] =	sst s0  }
0x9: {  	[smem:$0x3F9F] =	sst s1  }
0xa: {  	[smem:$0x3FA0] =	sst s2  }
0xb: {  	[smem:$0x3FA1] =	sst s3  }
0xc: {  	[smem:$0x3FA2] =	sst s4  }
0xd: {  	[smem:$0x3FA3] =	sst s5  }
0xe: {  	[smem:$0x3FA4] =	sst s6  }
0xf: {  	[smem:$0x3FA5] =	sst s7  }
0x10: {  	[smem:$0x3FA6] =	sst s8  }
0x11: {  	[smem:$0x3FA7] =	sst s9;
	s0 =	simm.s32 @!p0 $0x0  }
0x12: {  	s1 =	sld [smem:$0x3F8D];
	s0 =	simm.s32 @p0 $0x1  }
0x13: {  	[smem:$0x3FA8] =	sst s0;
	s0 =	simm.s32 @!p1 $0x0  }
0x14: {  	s2 =	sld [smem:$0x3F8C];
	s0 =	simm.s32 @p1 $0x1  }
0x15: {  	[smem:$0x3FA9] =	sst s0;
	s0 =	simm.s32 @!p2 $0x0  }
0x16: {  	s3 =	sld [smem:$0x3FDB];
	s0 =	simm.s32 @p2 $0x1  }
0x17: {  	s4 =	simm.s32 $0x1BF5;
	[smem:$0x3FAB] =	sst s0  }
0x18: {  	s0 =	sld [smem:$0x3F8E];
	_ =	swait.ge [sflag:s4], $0x0  }
0x19: {  	s7 =	sld [smem:$0x3F8F]  }
0x1a: {  	s8 =	sadd.s32 $0xFFFFE003, lr  }
0x1b: {  	s9 =	sadd.s32 $0xFFFFFEF7, lr;
	s5 =	simm.s32 $0xFFFFFFFF;
	p2 =	slt.u32 s8, $0xFFFFF086  }
0x1c: {  	p1 =	slt.u32 s9, $0xF7A;
	s5 =	simm.s32 @!p2 $0x0  }
0x1d: {  	s5 =	simm.s32 @p1 $0x1;
	p0 =	seq.s32 s7, s2  }
0x1e: {  	s7 =	smul.u32 @!p0 $0xF7A, s2;
	p2 =	seq.s32 @!p0 s5, $0x0  }
0x1f: {  	s9 =	smul.u32 $0xF7A, s1;
	s8 =	simm.s32 @!p0 $0x1BF5;
	p2 =	por !p2, p0  }
0x20: {  	[sflag:s8] =	ssyncset.s32 @!p0 $0xFFFFF086;
	s6 =	sadd.s32 @!p0 s3, s7;
	s7 =	simm.s32 @!p0 $0x108  }
0x21: {  	s3 =	sadd.s32 s3, s9;
	s6 =	sadd.s32 @!p0 $0x88, s6;
	s7 =	simm.s32 @p2 $0x1082  }
0x22: {  	[simem:s7], [sflag:s8] =	dma.local @!p0 [hbm:s6], $0xF7A  }
0x23: {  	s9 =	sor.u32 $0xD0000000, s2;
	s6 =	simm.s32 $0x108;
	_ =	swait.ge @!p0 [sflag:s8], $0x0  }
0x24: {  	s3 =	sadd.s32 $0x88, s3;
	s6 =	simm.s32 @!p1 $0x1082;
	[sflag:s4] =	ssyncset.s32 $0xFFFFF086  }
0x25: {  	[simem:s6], [sflag:s4] =	dma.local [hbm:s3], $0xF7A  }
0x26: {  	[smem:$0x3F8F] =	sst s1;
	(tag) =	ssettag s2;
	_ =	strace s9  }
0x27: {  	s1 =	sld [smem:$0x3F9F]  }
0x28: {  	s2 =	sld [smem:$0x3FA0]  }
0x29: {  	s4 =	sld [smem:$0x3FA2]  }
0x2a: {  	p0 =	seq.s32 s5, $0x0;
	s5 =	sld [smem:$0x3FA3]  }
0x2b: {  	s6 =	sld [smem:$0x3FA4]  }
0x2c: {  	s7 =	sld [smem:$0x3FA5]  }
0x2d: {  	s3 =	simm.s32 $0x108;
	s8 =	sld [smem:$0x3FA6]  }
0x2e: {  	s3 =	simm.s32 @!p0 $0x1082;
	s9 =	sld [smem:$0x3FA7]  }
0x2f: {  	lr =	sadd.s32 s0, s3;
	s0 =	sld [smem:$0x3F9E]  }
0x30: {  	s3 =	sld [smem:$0x3FA1]  }
0x31: {  	[smem:$0x3FAA] =	sst s10  }
0x32: {  	s10 =	sld [smem:$0x3FA8];
	_ =	sdelay $0x3  }
0x33: {  	p0 =	seq.s32 s10, $0x1;
	s10 =	sld [smem:$0x3FAA];
	_ =	sdelay $0x3  }
0x34: {  	[smem:$0x3FAA] =	sst s10  }
0x35: {  	s10 =	sld [smem:$0x3FA9];
	_ =	sdelay $0x3  }
0x36: {  	p1 =	seq.s32 s10, $0x1;
	s10 =	sld [smem:$0x3FAA];
	_ =	sdelay $0x3  }
0x37: {  	[smem:$0x3FAA] =	sst s10  }
0x38: {  	s10 =	sld [smem:$0x3FAB]  }
0x39: {  	_ = 	snop;
	(pc) =	sbr.ind lr, $3  }
0x3a: {  	_ = 	snop  }
0x3b: {  	_ = 	snop  }
0x3c: {  	p2 =	seq.s32 s10, $0x1;
	s10 =	sld [smem:$0x3FAA]  }
0x3d: {  	_ =	shalt  }
0x3e: {  	_ =	shalt  }
0x3f: {  	_ =	shalt  }
0x40: {  	_ =	shalt  }
0x41: {  	_ =	shalt  }
0x42: {  	_ =	shalt  }
0x43: {  	_ =	shalt  }
0x44: {  	_ =	shalt  }
0x45: {  	_ =	shalt  }
0x46: {  	_ =	shalt  }
0x47: {  	_ =	shalt  }
0x48: {  	_ =	shalt  }
0x49: {  	_ =	shalt  }
0x4a: {  	_ =	shalt  }
0x4b: {  	_ =	shalt  }
0x4c: {  	_ =	shalt  }
0x4d: {  	_ =	shalt  }
0x4e: {  	_ =	shalt  }
0x4f: {  	_ =	shalt  }
0x50: {  	_ =	shalt  }
0x51: {  	_ =	shalt  }
0x52: {  	_ =	shalt  }
0x53: {  	_ =	shalt  }
0x54: {  	_ =	shalt  }
0x55: {  	_ =	shalt  }
0x56: {  	_ =	shalt  }
0x57: {  	_ =	shalt  }
0x58: {  	_ =	shalt  }
0x59: {  	_ =	shalt  }
0x5a: {  	_ =	shalt  }
0x5b: {  	_ =	shalt  }
0x5c: {  	_ =	shalt  }
0x5d: {  	_ =	shalt  }
0x5e: {  	_ =	shalt  }
0x5f: {  	_ =	shalt  }
0x60: {  	_ =	shalt  }
0x61: {  	_ =	shalt  }
0x62: {  	_ =	shalt  }
0x63: {  	_ =	shalt  }
0x64: {  	_ =	shalt  }
0x65: {  	_ =	shalt  }
0x66: {  	_ =	shalt  }
0x67: {  	_ =	shalt  }
0x68: {  	_ =	shalt  }
0x69: {  	_ =	shalt  }
0x6a: {  	_ =	shalt  }
0x6b: {  	_ =	shalt  }
0x6c: {  	_ =	shalt  }
0x6d: {  	_ =	shalt  }
0x6e: {  	_ =	shalt  }
0x6f: {  	_ =	shalt  }
0x70: {  	_ =	shalt  }
0x71: {  	_ =	shalt  }
0x72: {  	_ =	shalt  }
0x73: {  	_ =	shalt  }
0x74: {  	_ =	shalt  }
0x75: {  	_ =	shalt  }
0x76: {  	_ =	shalt  }
0x77: {  	_ =	shalt  }
0x78: {  	_ =	shalt  }
0x79: {  	_ =	shalt  }
0x7a: {  	_ =	shalt  }
0x7b: {  	_ =	shalt  }
0x7c: {  	_ =	shalt  }
0x7d: {  	_ =	shalt  }
0x7e: {  	_ =	shalt  }
0x7f: {  	_ =	shalt  }
0x80: {  	_ =	shalt  }
0x81: {  	_ =	shalt  }
0x82: {  	_ =	shalt  }
0x83: {  	_ =	shalt  }
0x84: {  	_ =	shalt  }
0x85: {  	_ =	shalt  }
0x86: {  	_ =	shalt  }
0x87: {  	_ =	shalt  }
.Lfunc_end0:
.L_simem_size_0:
called_computation_lowered:
.L_overlay_start_0:
0x88: {  	s2 =	sld [smem:$0x3FD9]  }
0x89: {  	s3 =	sld [smem:$0x3FFE];
	_ =	sdelay $0x1  }
0x8a: {  	s1 =	srdreg.scid  }
0x8b: {  	s0 =	sand.u32 $0x1, s1  }
0x8c: {  	s14 =	sshll.u32 s0, $0xA;
	s2 =	sadd.s32 s3, s2  }
0x8d: {  	s2 =	sadd.s32 s2, s14  }
0x8e: {  	[smem:$0x3FB6] =	sst s2  }
0x8f: {  	_ = 	snop  }
0x90: {  	s2 =	sld [smem:$0x3FD0];
	_ =	sdelay $0x2  }
0x91: {  	s15 =	simm.s32 $0xA;
	s4 =	simm.s32 $0x10  }
0x92: {  	[smem:s4], [sflag:s15] =	dma.local [hbm:s2], $0x1  }
0x93: {  	_ =	swait.eq [sflag:s15], $0x1  }
0x94: {  	[sflag:s15] =	ssyncset.done $0x0  }
0x95: {  	[sflag:s15] =	ssyncadd.s32 $0xFFFFFFFF  }
0x96: {  	s16 =	sld [smem:$0x11];
	(tm) =	ssettm $0x1  }
0x97: {  	s17 =	sld [smem:$0x3FFB];
	_ =	sdelay $0x3  }
0x98: {  	_ =	strace s17  }
0x99: {  	s3 =	sld [smem:$0x3FFC];
	_ =	sdelay $0x3  }
0x9a: {  	_ =	strace s3  }
0x9b: {  	s3 =	sld [smem:$0x3FFD];
	_ =	sdelay $0x3  }
0x9c: {  	_ =	strace s3  }
0x9d: {  	_ =	strace $0x8FFFFFFF  }
0x9e: {  	s18 =	sld [smem:$0x3FDB];
	_ =	sdelay $0x1  }
0x9f: {  	s19 =	simm.s32 $_scs_section_size  }
0xa0: {  	s5 =	simm.s32 $_size__tile_overlayer_lowered;
	s6 =	simm.s32 $_tile_overlayer_lowered  }
0xa1: {  	s22 =	simm.s32 $0x1BFF;
	s21 =	sshll.u32 s6, $0x1;
	s3 =	sadd.s32 s19, s18  }
0xa2: {  	s7 =	simm.s32 $0x0;
	s20 =	sshll.u32 s5, $0x1;
	s5 =	sadd.s32 s21, s3  }
0xa3: {  	[timem:s7], [sflag:s22] =	dma.local [hbm:s5], s20  }
0xa4: {  	_ =	swait.ge [sflag:s22], s20  }
0xa5: {  	s4 =	ssub.s32 $0x0, s20;
	[sflag:s22] =	ssyncset.done $0x0  }
0xa6: {  	[sflag:s22] =	ssyncadd.s32 s4;
	_ =	sdelay $0x1  }
0xa7: {  	s23 =	simm.s32 $0x1B8B  }
0xa8: {  	_ =	swait.ge [sflag:s23], $0x1  }
0xa9: {  	[sflag:s23] =	ssyncset.done $0x0  }
0xaa: {  	s25 =	simm.s32 $0x1B8E;
	s24 =	sld [smem:$0x3FFE];
	[sflag:s23] =	ssyncadd.s32 $0xFFFFFFFF  }
0xab: {  	s26 =	simm.s32 $execute0_lowered;
	[smem:$0x3FD2] =	sst s25  }
0xac: {  	s5 =	sshll.u32 s26, $0x1;
	_ =	strace $0x80000046;
	[dreg:$0x1] =	wrdreg $0xFFFFFFFF  }
0xad: {  	s28 =	simm.s32 $_size_execute0_lowered;
	s3 =	sadd.s32 s3, s5;
	[dreg:$0x0] =	wrdreg $0x0  }
0xae: {  	s5 =	sshll.u32 s28, $0x1;
	[dreg:$0x2] =	wrdreg s3  }
0xaf: {  	[dreg:$0x3] =	wrdreg s5  }
0xb0: {  	[dreg:$0x4] =	wrdreg $0xC0  }
0xb1: {  	_ =	task [dreg:s7], $0x5FFFF  }
0xb2: {  	[dreg:$0x1] =	wrdreg $0xFFFFFFFF  }
0xb3: {  	[dreg:$0x0] =	wrdreg $0x60  }
0xb4: {  	[dreg:$0x2] =	wrdreg s24  }
0xb5: {  	[dreg:$0x3] =	wrdreg s16  }
0xb6: {  	[dreg:$0x4] =	wrdreg $0x9  }
0xb7: {  	_ =	task.clear_ibuf [dreg:s7], $0x5FFFF;
	_ =	strace $0x90000046  }
0xb8: {  	s29 =	simm.s32 $0x9;
	_ =	strace $0x80000048  }
0xb9: {  	_ =	swait.ge [sflag:s29], $0x1  }
0xba: {  	[sflag:s29] =	ssyncadd.s32 $0xFFFFFFFF  }
0xbb: {  	_ =	strace $0x90000048  }
0xbc: {  	_ =	sfence  }
0xbd: {  	s30 =	sld [smem:$0x0];
	_ =	sdelay $0x2  }
0xbe: {  	s31 =	sshll.u32 s1, $0xD;
	s1 =	sshrl.u32 s1, $0x2  }
0xbf: {  	s3 =	sand.u32 $0x4000, s31;
	s1 =	sadd.s32 s1, s30  }
0xc0: {  	s0 =	sor.u32 s3, s0;
	s1 =	sshll.u32 s1, $0x11  }
0xc1: {  	s0 =	sor.u32 s1, s0  }
0xc2: {  	s0 =	sadd.s32 $0x8F2B, s0  }
0xc3: {  	[sflag:s0] =	ssyncadd.remote.s32 $0x1  }
0xc4: {  	_ =	sfence.sel $0xFFFF  }
0xc5: {  	[dreg:$0x0] =	wrdreg $0xFFFFFFFF;
	(pc) =	sbr.abs _section_cstart, $3  }
0xc6: {  	[dreg:$0x1] =	wrdreg $0xFFFFFFFF  }
0xc7: {  	_ =	task.clear_ibuf [dreg:s7], $0x2FFFF;
	_ =	strace $0x9FFFFFFF  }
0xc8: {  	(tm) =	ssettm $0x7FFFFFFF  }
0xc9: {  	_ =	shalt  }
tec
execute0_lowered:
.L_overlay_start_1:
0x0: {  	(tag) =	ssettag $0x1  }
0x1: {  	s4 =	rddreg [dreg:$0x0]  }
0x2: {  	s6 =	rddreg [dreg:$0x1]  }
0x3: {  	s0 =	rddreg [dreg:$0x2];
	s2 =	simm.s32 $0x0;
	s1 =	stileid.u32  }
0x4: {  	s3 =	srdreg.scid;
	[smem:$0x7FF] =	sst s2  }
0x5: {  	s5 =	sshll.u32 s1, $0x10;
	s7 =	sand.u32 $0x1, s3;
	s3 =	sadd.s32 $0x2A00, s4  }
0x6: {  	s9 =	sshll.u32 s1, $0xC;
	_ =	strace $0x80000047;
	s5 =	sadd.s32 s5, s4  }
0x7: {  	s29 =	ssub.s32 $0x2, s7;
	s10 =	sshll.u32 s7, $0xB;
	s7 =	sshll.u32 s7, $0xF  }
0x8: {  	s8 =	sshrl.u32 s29, $0x1;
	s30 =	sor.u32 s10, s9;
	s5 =	sadd.s32 s7, s5  }
0x9: {  	s7 =	simm.s32 $0x2;
	s9 =	simm.s32 $0x1;
	s10 =	simm.s32 $0x0  }
0xa: {  	s4 =	ssub.s32 s29, s8;
	s31 =	sshrl.u32 s30, $0x3;
	s5 =	sadd.s32 $0x42A00, s5  }
0xb: {  	s8 =	simm.s32 $0x80;
	s4 =	smax.u32 s4, $0x1;
	s6 =	sadd.s32 s31, s6  }
.LBB2_1:
0xc: {  	s11 =	sadd.s32 $0x0, s6  }
0xd: {  	[tilespmem:s2], [sflag:$0x2] =	stream.linear.gather [hbm4b:s11+s2], $0x80, $0x38;
	[tilespmem:$0x4080] =	vst v63  }
0xe: {  	_ =	swait.ge [sflag:s7], $0x80  }
0xf: {  	[sflag:s7] =	ssyncset.done $0x0  }
0x10: {  	[sflag:s7] =	ssyncadd.s32 $0xFFFFFF80  }
0x11: {  	[tilespmem:s8], [sflag:$0x1] =	stream.indirect.gather [hbm4b:s3+s8], $0x80, s2, s8, $0xb8;
	[tilespmem:$0x4080] =	vst v63  }
0x12: {  	_ =	swait.ge [sflag:s9], $0x4000  }
0x13: {  	[sflag:s9] =	ssyncset.done $0x0  }
0x14: {  	[sflag:s9] =	ssyncadd.s32 $0xFFFFC000  }
0x15: {  	[hbm4b:s5+s2] =	stream.linear.scatter [tilespmem:s8], [sflag:$0x2], $0x4000, $0x38;
	[tilespmem:$0x4080] =	vst v63  }
0x16: {  	s12 =	simm.s32 $0x10;
	_ =	swait.ge [sflag:s7], $0x4000  }
0x17: {  	s13 =	simm.s32 $0x20;
	s11 =	sadd.s32 $0x800, s5;
	[sflag:s7] =	ssyncset.done $0x0  }
.LBB2_2:
0x18: {  	s14 =	sadd.s32 s12, s6  }
0x19: {  	[sflag:s7] =	ssyncadd.s32 $0xFFFFC000;
	s12 =	smov.u32 s13;
	s15 =	sadd.s32 $0x10, s13  }
0x1a: {  	[tilespmem:s2], [sflag:$0x2] =	stream.linear.gather [hbm4b:s14+s2], $0x80, $0x38;
	[tilespmem:$0x4080] =	vst v63  }
0x1b: {  	p0 =	sne.s32 s13, $0xF0;
	_ =	swait.ge [sflag:s7], $0x80  }
0x1c: {  	[sflag:s7] =	ssyncset.done $0x0  }
0x1d: {  	[sflag:s7] =	ssyncadd.s32 $0xFFFFFF80  }
0x1e: {  	[tilespmem:s8], [sflag:$0x1] =	stream.indirect.gather [hbm4b:s3+s8], $0x80, s2, s8, $0xb8;
	[tilespmem:$0x4080] =	vst v63  }
0x1f: {  	_ =	swait.ge [sflag:s9], $0x4000  }
.Ltmp0:
0x20: {  	[sflag:s9] =	ssyncset.done $0x0;
	(pc) =	sbr.rel @p0 .LBB2_2-.Ltmp0, $4  }
0x21: {  	[sflag:s9] =	ssyncadd.s32 $0xFFFFC000  }
0x22: {  	[hbm4b:s11+s2] =	stream.linear.scatter [tilespmem:s8], [sflag:$0x2], $0x4000, $0x38;
	[tilespmem:$0x4080] =	vst v63  }
0x23: {  	_ =	swait.ge [sflag:s7], $0x4000  }
0x24: {  	s13 =	smov.u32 s15;
	s11 =	sadd.s32 $0x800, s11;
	[sflag:s7] =	ssyncset.done $0x0  }
0x25: {  	s12 =	sadd.s32 s12, s6;
	[sflag:s7] =	ssyncadd.s32 $0xFFFFC000  }
0x26: {  	[tilespmem:s2], [sflag:$0x2] =	stream.linear.gather [hbm4b:s12+s2], $0x80, $0x38;
	[tilespmem:$0x4080] =	vst v63  }
0x27: {  	_ =	swait.ge [sflag:s7], $0x80  }
0x28: {  	[sflag:s7] =	ssyncset.done $0x0  }
0x29: {  	[sflag:s7] =	ssyncadd.s32 $0xFFFFFF80  }
0x2a: {  	[tilespmem:s8], [sflag:$0x1] =	stream.indirect.gather [hbm4b:s3+s8], $0x80, s2, s8, $0xb8;
	[tilespmem:$0x4080] =	vst v63  }
0x2b: {  	s10 =	sadd.s32 $0x1, s10;
	_ =	swait.ge [sflag:s9], $0x4000  }
0x2c: {  	p0 =	sne.s32 s10, s4;
	[sflag:s9] =	ssyncset.done $0x0  }
.Ltmp1:
0x2d: {  	[sflag:s9] =	ssyncadd.s32 $0xFFFFC000;
	(pc) =	sbr.rel @p0 .LBB2_1-.Ltmp1, $4  }
0x2e: {  	[hbm4b:s11+s2] =	stream.linear.scatter [tilespmem:s8], [sflag:$0x2], $0x4000, $0x38;
	[tilespmem:$0x4080] =	vst v63  }
0x2f: {  	_ =	swait.ge [sflag:s7], $0x4000  }
0x30: {  	[sflag:s7] =	ssyncset.done $0x0  }
0x31: {  	[sflag:s7] =	ssyncadd.s32 $0xFFFFC000  }
0x32: {  	_ =	sfence.sel $0x180000  }
0x33: {  	[bflag:$0x0] =	sbarrier.arrive $0xFFFF  }
0x34: {  	p0 =	sne.s32 s1, $0x0;
	_ =	strace $0x90000047  }
0x35: {  	s0 =	sadd.s32 @!p0 $0x100000, s0;
	[bflag:$0x2] =	sbarrier.arrive $0xFFFF  }
0x36: {  	[sflag:s0] =	ssyncadd.tile.s32 @!p0 $0x1;
	_ =	shalt  }
.Lfunc_end2:
_tile_overlayer_lowered:
.L_overlay_start_2:
0x37: {  	(tag) =	ssettag $0x2  }
0x38: {  	s0 =	rddreg [dreg:$0x0];
	s2 =	stileid.u32  }
0x39: {  	s1 =	rddreg [dreg:$0x1];
	p0 =	sne.s32 s2, $0x0  }
0x3a: {  	s3 =	rddreg [dreg:$0x2];
	[bflag:$0x3] =	sbarrier.arrive $0xFFFF;
	s2 =	simm.s32 @!p0 $0x1C02  }
0x3b: {  	[timem:s3], [sflag:s2] =	dma.local @!p0 [hbm:s0], s1  }
0x3c: {  	s0 =	simm.s32 @!p0 $0x2  }
0x3d: {  	_ =	swait.ge @!p0 [sflag:s0], s1  }
0x3e: {  	s1 =	ssub.s32 @!p0 $0x0, s1;
	[sflag:s0] =	ssyncset.done @!p0 $0x0  }
0x3f: {  	[sflag:s0] =	ssyncadd.s32 @!p0 s1  }
0x40: {  	[bflag:$0x3] =	sbarrier.arrive $0xFFFF  }
0x41: {  	_ =	shalt  }

</sc_bundles>
